<compile_context>
chip_gen: v7x
topology: tpu7x:2x2x1
jax: 0.10.2.dev20260603
libtpu: 0.0.44.dev20260713+nightly
codegen_flags: <defaults>
</compile_context>

<pallas_src>
import functools

import jax
import jax.numpy as jnp
from jax import lax
from jax.experimental import pallas as pl
from jax.experimental.pallas import tpu as pltpu
import jax.experimental.pallas.tpu_sc as plsc

_NC = 2
_NS = 16
_CHUNK = 128
_ZROWS = 640


def _sc_segsum(n0, n1, d):
    acc_rows = _NS * _ZROWS
    nmax = max(n0, n1)
    mesh = plsc.VectorSubcoreMesh(core_axis_name="c", subcore_axis_name="s")
    scratch = [
        pltpu.VMEM((nmax, _CHUNK), jnp.int32),
        pltpu.VMEM((nmax, _CHUNK), jnp.int32),
        pltpu.VMEM((_CHUNK, d), jnp.float32),
        pltpu.VMEM_SHARED((acc_rows, d), jnp.float32),
        pltpu.SemaphoreType.DMA,
    ]

    @functools.partial(
        pl.kernel,
        out_type=jax.ShapeDtypeStruct((_NC, acc_rows, d), jnp.float32),
        mesh=mesh,
        scratch_types=scratch,
    )
    def k(h_hbm, s0_hbm, d0_hbm, s1_hbm, d1_hbm, zeros_hbm, out_hbm,
          sv, dv, val_v, acc, sem):
        c = lax.axis_index("c")
        s = lax.axis_index("s")
        pltpu.sync_copy(zeros_hbm, acc.at[pl.ds(s * _ZROWS, _ZROWS)])

        def run(src_hbm, dst_hbm, n_ch):
            pltpu.sync_copy(src_hbm.at[s], sv.at[pl.ds(0, n_ch)])
            pltpu.sync_copy(dst_hbm.at[s], dv.at[pl.ds(0, n_ch)])
            plsc.subcore_barrier()

            def step(j, carry):
                pltpu.async_copy(h_hbm.at[sv.at[j]], val_v, sem).wait()
                pltpu.sync_copy(val_v, acc.at[dv.at[j]], add=True)
                return carry

            lax.fori_loop(0, n_ch, step, 0)

        @pl.when(c == 0)
        def _():
            run(s0_hbm, d0_hbm, n0)

        @pl.when(c == 1)
        def _():
            run(s1_hbm, d1_hbm, n1)

        plsc.subcore_barrier()
        pltpu.sync_copy(acc.at[pl.ds(s * _ZROWS, _ZROWS)],
                        out_hbm.at[c, pl.ds(s * _ZROWS, _ZROWS)])

    return k


def _split_edges(adj, n, n0, n1):
    e = adj.shape[1]
    e_pad = _NS * (n0 + n1) * _CHUNK
    src = jnp.concatenate([adj[0], jnp.zeros((e_pad - e,), jnp.int32)])
    dst = jnp.concatenate([adj[1], jnp.full((e_pad - e,), n, jnp.int32)])
    cut = _NS * n0 * _CHUNK
    return (src[:cut].reshape(_NS, n0, _CHUNK),
            dst[:cut].reshape(_NS, n0, _CHUNK),
            src[cut:].reshape(_NS, n1, _CHUNK),
            dst[cut:].reshape(_NS, n1, _CHUNK))


def _sc_degree(n_ch):
    acc_rows = _NS * _ZROWS
    mesh = plsc.VectorSubcoreMesh(core_axis_name="c", subcore_axis_name="s")
    scratch = [
        pltpu.VMEM((n_ch, _CHUNK), jnp.int32),
        pltpu.VMEM((_CHUNK,), jnp.float32),
        pltpu.VMEM_SHARED((acc_rows,), jnp.float32),
        pltpu.SemaphoreType.DMA,
    ]

    @functools.partial(
        pl.kernel,
        out_type=jax.ShapeDtypeStruct((_NC * acc_rows,), jnp.float32),
        mesh=mesh,
        scratch_types=scratch,
    )
    def k(ones_hbm, dst_hbm, zeros_hbm, out_hbm, dst_v, val_v, acc, sem):
        c = lax.axis_index("c")
        s = lax.axis_index("s")
        pltpu.sync_copy(dst_hbm.at[c, s], dst_v)
        pltpu.sync_copy(ones_hbm, val_v)
        pltpu.sync_copy(zeros_hbm, acc.at[pl.ds(s * _ZROWS, _ZROWS)])
        plsc.subcore_barrier()

        def step(j, carry):
            pltpu.sync_copy(val_v, acc.at[dst_v.at[j]], add=True)
            return carry

        lax.fori_loop(0, n_ch, step, 0)
        plsc.subcore_barrier()
        pltpu.sync_copy(acc.at[pl.ds(s * _ZROWS, _ZROWS)],
                        out_hbm.at[pl.ds(c * acc_rows + s * _ZROWS, _ZROWS)])

    return k


def _tc_layer1(x, w1, b1, degp):
    n, f = x.shape
    h = w1.shape[1]
    rb = 1000

    def body(x_ref, w_ref, b_ref, deg_ref, h1_ref, isd_ref):
        deg = deg_ref[0] + deg_ref[1]
        isd = lax.rsqrt(jnp.maximum(deg, 1.0))
        acts = jnp.dot(x_ref[...], w_ref[...],
                       preferred_element_type=jnp.float32) + b_ref[...]
        h1_ref[...] = acts * isd
        isd_ref[...] = isd

    return pl.pallas_call(
        body,
        grid=(n // rb,),
        in_specs=[
            pl.BlockSpec((rb, f), lambda i: (i, 0)),
            pl.BlockSpec((f, h), lambda i: (0, 0)),
            pl.BlockSpec((1, h), lambda i: (0, 0)),
            pl.BlockSpec((_NC, rb, 1), lambda i: (0, i, 0)),
        ],
        out_specs=[
            pl.BlockSpec((rb, h), lambda i: (i, 0)),
            pl.BlockSpec((rb, 1), lambda i: (i, 0)),
        ],
        out_shape=[
            jax.ShapeDtypeStruct((n, h), jnp.float32),
            jax.ShapeDtypeStruct((n, 1), jnp.float32),
        ],
    )(x, w1, b1.reshape(1, -1), degp)


def _tc_layer2(aggp, isd, w2, b2):
    n = isd.shape[0]
    h = w2.shape[0]
    c = w2.shape[1]
    rb = 1000

    def body(agg_ref, isd_ref, w_ref, b_ref, out_ref):
        m = jnp.maximum((agg_ref[0] + agg_ref[1]) * isd_ref[...], 0.0)
        acts = jnp.dot(m, w_ref[...],
                       preferred_element_type=jnp.float32) + b_ref[...]
        out_ref[...] = acts * isd_ref[...]

    return pl.pallas_call(
        body,
        grid=(n // rb,),
        in_specs=[
            pl.BlockSpec((_NC, rb, h), lambda i: (0, i, 0)),
            pl.BlockSpec((rb, 1), lambda i: (i, 0)),
            pl.BlockSpec((h, c), lambda i: (0, 0)),
            pl.BlockSpec((1, c), lambda i: (0, 0)),
        ],
        out_specs=pl.BlockSpec((rb, c), lambda i: (i, 0)),
        out_shape=jax.ShapeDtypeStruct((n, c), jnp.float32),
    )(aggp, isd, w2, b2.reshape(1, -1))


def _tc_logsoftmax(aggp, isd, c):
    n = isd.shape[0]
    rb = 1000

    cp = aggp.shape[-1]

    def body(agg_ref, isd_ref, out_ref):
        v = ((agg_ref[0] + agg_ref[1]) * isd_ref[...])[:, :c]
        m = jnp.max(v, axis=1, keepdims=True)
        ex = jnp.exp(v - m)
        lse = jnp.log(jnp.sum(ex, axis=1, keepdims=True))
        out_ref[...] = v - m - lse

    return pl.pallas_call(
        body,
        grid=(n // rb,),
        in_specs=[
            pl.BlockSpec((_NC, rb, cp), lambda i: (0, i, 0)),
            pl.BlockSpec((rb, 1), lambda i: (i, 0)),
        ],
        out_specs=pl.BlockSpec((rb, c), lambda i: (i, 0)),
        out_shape=jax.ShapeDtypeStruct((n, c), jnp.float32),
    )(aggp, isd)






def kernel(x, adj, W1, b1, W2, b2):
    n, f = x.shape
    h = W1.shape[1]
    c = W2.shape[1]
    e = adj.shape[1]

    n_pair = -(-e // (_NS * _CHUNK))
    n0 = max(1, min(n_pair - 1, round(n_pair * 0.60)))
    n1 = n_pair - n0
    s0, d0, s1, d1 = _split_edges(adj, n, n0, n1)

    per_tile = -(-e // (_NC * _NS))
    n_ch = -(-per_tile // _CHUNK)
    e_pad = _NC * _NS * n_ch * _CHUNK
    dstd = jnp.concatenate(
        [adj[1], jnp.full((e_pad - e,), n, jnp.int32)]).reshape(
            _NC, _NS, n_ch, _CHUNK)

    cp = 128
    w2p = jnp.pad(W2, ((0, 0), (0, cp - c)))
    b2p = jnp.pad(b2, ((0, cp - c),))

    ones1 = jnp.ones((_CHUNK,), jnp.float32)
    zeros1 = jnp.zeros((_ZROWS,), jnp.float32)
    zeros_h = jnp.zeros((_ZROWS, h), jnp.float32)
    zeros_c = jnp.zeros((_ZROWS, cp), jnp.float32)

    acc_rows = _NS * _ZROWS
    degp = _sc_degree(n_ch)(ones1, dstd, zeros1).reshape(_NC, acc_rows, 1)
    h1, isd = _tc_layer1(x, W1, b1, degp)
    agg1p = _sc_segsum(n0, n1, h)(h1, s0, d0, s1, d1, zeros_h)
    h2 = _tc_layer2(agg1p, isd, w2p, b2p)
    agg2p = _sc_segsum(n0, n1, cp)(h2, s0, d0, s1, d1, zeros_c)
    return _tc_logsoftmax(agg2p, isd, c)

# --- scband reference (transcript-rebuilt; emitter-appended) ---
"""Pipeline reference for scband-base-gnn-7756710937258 (READ-ONLY COPY).

The authoritative reference and input builder live on the scoring server;
editing this copy changes nothing except your own understanding.
"""

import jax, jax.numpy as jnp
import numpy as np

N = 10000
E = 320000
F = 128
H = 128
C = 64


def setup_inputs(seed: int = 0) -> dict:
    key = jax.random.key(seed)
    k1, k2, k3, k4 = jax.random.split(key, 4)
    x = jax.random.normal(k1, (N, F), dtype=jnp.float32)
    adj = jax.random.randint(k2, (2, E), 0, N, dtype=jnp.int32)
    W1 = jax.random.normal(k3, (F, H), dtype=jnp.float32) * (1.0 / np.sqrt(F))
    b1 = jnp.zeros((H,), dtype=jnp.float32)
    W2 = jax.random.normal(k4, (H, C), dtype=jnp.float32) * (1.0 / np.sqrt(H))
    b2 = jnp.zeros((C,), dtype=jnp.float32)
    return {"x": x, "adj": adj, "W1": W1, "b1": b1, "W2": W2, "b2": b2}


def reference(x, adj, W1, b1, W2, b2):
    # 2-layer GCN forward (BaseGNN.forward with nlayers=2, with_bn=False,
    # dropout=0 in eval mode). adj given as edge_index [2, E]; symmetric
    # degree normalization mirrors normalize_adj_tensor.
    src = adj[0]
    dst = adj[1]
    ones = jnp.ones((E,), dtype=jnp.float32)
    deg = jax.ops.segment_sum(ones, dst, num_segments=N)
    inv_sqrt_deg = jax.lax.rsqrt(jnp.maximum(deg, 1.0))
    coeff = inv_sqrt_deg[src] * inv_sqrt_deg[dst]

    def gcn_layer(h, W, b):
        h = h @ W + b
        msg = jnp.take(h, src, axis=0) * coeff[:, None]
        return jax.ops.segment_sum(msg, dst, num_segments=N)

    h = gcn_layer(x, W1, b1)
    h = jax.nn.relu(h)
    out = gcn_layer(h, W2, b2)
    out = out.reshape(-1, out.shape[-1])
    return jax.nn.log_softmax(out, axis=1)

if __name__ == "__main__":
    import jax
    _d = setup_inputs()
    print(jax.jit(kernel)(*tuple(_d.values())))

</pallas_src>

<mosaic_0001>
#map = affine_map<(d0, d1) -> (0)>
#map1 = affine_map<(d0, d1) -> (0, 0, 0, 0)>
module attributes {stable_mosaic.version = 14 : i64} {
  func.func @k(%arg0: i32, %arg1: i32, %arg2: memref<128xf32, #tpu.memory_space<hbm>>, %arg3: memref<2x16x79x128xi32, #tpu.memory_space<hbm>>, %arg4: memref<640xf32, #tpu.memory_space<hbm>>, %arg5: memref<20480xf32, #tpu.memory_space<hbm>>, %arg6: memref<79x128xi32, #tpu.memory_space<vmem>>, %arg7: memref<128xf32, #tpu.memory_space<vmem>>, %arg8: memref<10240xf32, #tpu.memory_space<vmem_shared>>, %arg9: memref<!tpu.dma_semaphore, #tpu.memory_space<semaphore_mem>>) attributes {dimension_semantics = [#tpu.dimension_semantics<core_parallel>, #tpu.dimension_semantics<subcore_parallel>], iteration_bounds = array<i64: 2, 16>, scalar_prefetch = 0 : i64, scratch_operands = 4 : i64, tpu.core_type = #tpu.core_type<sc_vector_subcore>, window_params = [{transform_indices = #map}, {transform_indices = #map1}, {transform_indices = #map}, {transform_indices = #map}]} {
    "tpu.region"() ({
      %run_scoped3A = tpu.sem_alloc : memref<!tpu.dma_semaphore, #tpu.memory_space<semaphore_mem>>
      %dma_start3A = arith.constant 0 : i32
      %dma_start3A_13 = arith.constant 0 : i32
      %dma_start3A_14 = tpu.memref_slice %arg3[%arg0, %arg1, %dma_start3A, %dma_start3A_13] : memref<2x16x79x128xi32, #tpu.memory_space<hbm>> -> memref<1x1x79x128xi32, #tpu.memory_space<hbm>>
      %dma_start3A_15 = tpu.memref_squeeze %dma_start3A_14 : memref<1x1x79x128xi32, #tpu.memory_space<hbm>> -> memref<79x128xi32, #tpu.memory_space<hbm>>
      %dma_start3A_16 = arith.constant 0 : i32
      %dma_start3A_17 = arith.constant 0 : i32
      %dma_start3A_18 = tpu.memref_slice %arg3[%arg0, %arg1, %dma_start3A_16, %dma_start3A_17] : memref<2x16x79x128xi32, #tpu.memory_space<hbm>> -> memref<1x1x79x128xi32, #tpu.memory_space<hbm>>
      %dma_start3A_19 = tpu.memref_squeeze %dma_start3A_18 : memref<1x1x79x128xi32, #tpu.memory_space<hbm>> -> memref<79x128xi32, #tpu.memory_space<hbm>>
      tpu.enqueue_dma source(%dma_start3A_19 : memref<79x128xi32, #tpu.memory_space<hbm>>) target(%arg6 : memref<79x128xi32, #tpu.memory_space<vmem>>) target_semaphore(%run_scoped3A : memref<!tpu.dma_semaphore, #tpu.memory_space<semaphore_mem>>)
      %dma_wait3A = arith.constant 0 : i32
      %dma_wait3A_20 = arith.constant 0 : i32
      %dma_wait3A_21 = tpu.memref_slice %arg3[%arg0, %arg1, %dma_wait3A, %dma_wait3A_20] : memref<2x16x79x128xi32, #tpu.memory_space<hbm>> -> memref<1x1x79x128xi32, #tpu.memory_space<hbm>>
      %dma_wait3A_22 = tpu.memref_squeeze %dma_wait3A_21 : memref<1x1x79x128xi32, #tpu.memory_space<hbm>> -> memref<79x128xi32, #tpu.memory_space<hbm>>
      %dma_wait3A_23 = arith.constant 0 : i32
      %dma_wait3A_24 = arith.constant 0 : i32
      %dma_wait3A_25 = tpu.memref_slice %arg3[%arg0, %arg1, %dma_wait3A_23, %dma_wait3A_24] : memref<2x16x79x128xi32, #tpu.memory_space<hbm>> -> memref<1x1x79x128xi32, #tpu.memory_space<hbm>>
      %dma_wait3A_26 = tpu.memref_squeeze %dma_wait3A_25 : memref<1x1x79x128xi32, #tpu.memory_space<hbm>> -> memref<79x128xi32, #tpu.memory_space<hbm>>
      tpu.wait_dma2 semaphore(%run_scoped3A : memref<!tpu.dma_semaphore, #tpu.memory_space<semaphore_mem>>) src(%dma_wait3A_26 : memref<79x128xi32, #tpu.memory_space<hbm>>) dst(%arg6 : memref<79x128xi32, #tpu.memory_space<vmem>>)
      tpu.yield
    }) : () -> ()
    "tpu.region"() ({
      %run_scoped3A = tpu.sem_alloc : memref<!tpu.dma_semaphore, #tpu.memory_space<semaphore_mem>>
      tpu.enqueue_dma source(%arg2 : memref<128xf32, #tpu.memory_space<hbm>>) target(%arg7 : memref<128xf32, #tpu.memory_space<vmem>>) target_semaphore(%run_scoped3A : memref<!tpu.dma_semaphore, #tpu.memory_space<semaphore_mem>>)
      tpu.wait_dma2 semaphore(%run_scoped3A : memref<!tpu.dma_semaphore, #tpu.memory_space<semaphore_mem>>) src(%arg2 : memref<128xf32, #tpu.memory_space<hbm>>) dst(%arg7 : memref<128xf32, #tpu.memory_space<vmem>>)
      tpu.yield
    }) : () -> ()
    %mul3A = arith.constant 640 : i32
    %mul3A_0 = arith.muli %arg1, %mul3A : i32
    "tpu.region"() ({
      %run_scoped3A = tpu.sem_alloc : memref<!tpu.dma_semaphore, #tpu.memory_space<semaphore_mem>>
      %dma_start3A = tpu.memref_slice %arg8[%mul3A_0] : memref<10240xf32, #tpu.memory_space<vmem_shared>> -> memref<640xf32, #tpu.memory_space<vmem_shared>>
      tpu.enqueue_dma source(%arg4 : memref<640xf32, #tpu.memory_space<hbm>>) target(%dma_start3A : memref<640xf32, #tpu.memory_space<vmem_shared>>) target_semaphore(%run_scoped3A : memref<!tpu.dma_semaphore, #tpu.memory_space<semaphore_mem>>)
      %dma_wait3A = tpu.memref_slice %arg8[%mul3A_0] : memref<10240xf32, #tpu.memory_space<vmem_shared>> -> memref<640xf32, #tpu.memory_space<vmem_shared>>
      tpu.wait_dma2 semaphore(%run_scoped3A : memref<!tpu.dma_semaphore, #tpu.memory_space<semaphore_mem>>) src(%arg4 : memref<640xf32, #tpu.memory_space<hbm>>) dst(%dma_wait3A : memref<640xf32, #tpu.memory_space<vmem_shared>>)
      tpu.yield
    }) : () -> ()
    %barrier3A = arith.constant 0 : index
    tpu.barrier barrier_id(%barrier3A)
    %scan3A = arith.constant 0 : i32
    %scan3A_1 = arith.constant 0 : i32
    %scan3A_2 = arith.constant 79 : i32
    %scan3A_3 = arith.addi %scan3A_1, %scan3A_2 : i32
    %scan3A_4 = arith.constant 1 : i32
    scf.for %scan3A_13 = %scan3A_1 to %scan3A_3 step %scan3A_4  : i32 {
      "tpu.region"() ({
        %run_scoped3A = tpu.sem_alloc : memref<!tpu.dma_semaphore, #tpu.memory_space<semaphore_mem>>
        %dma_start3A = arith.constant 0 : i32
        %dma_start3A_14 = tpu.memref_slice %arg6[%scan3A_13, %dma_start3A] : memref<79x128xi32, #tpu.memory_space<vmem>> -> memref<1x128xi32, #tpu.memory_space<vmem>>
        %dma_start3A_15 = tpu.memref_squeeze %dma_start3A_14 : memref<1x128xi32, #tpu.memory_space<vmem>> -> memref<128xi32, #tpu.memory_space<vmem>>
        %dma_start3A_16 = arith.constant 0 : i32
        %dma_start3A_17 = tpu.memref_slice %arg8[%dma_start3A_16] : memref<10240xf32, #tpu.memory_space<vmem_shared>> -> memref<10240xf32, #tpu.memory_space<vmem_shared>>
        tpu.enqueue_indirect_dma source(%arg7 : memref<128xf32, #tpu.memory_space<vmem>>) target(%dma_start3A_17 : memref<10240xf32, #tpu.memory_space<vmem_shared>>) offsets(%dma_start3A_15 : memref<128xi32, #tpu.memory_space<vmem>>) semaphore(%run_scoped3A : memref<!tpu.dma_semaphore, #tpu.memory_space<semaphore_mem>>) {add = true}
        %dma_wait3A = arith.constant 0 : i32
        %dma_wait3A_18 = tpu.memref_slice %arg6[%scan3A_13, %dma_wait3A] : memref<79x128xi32, #tpu.memory_space<vmem>> -> memref<1x128xi32, #tpu.memory_space<vmem>>
        %dma_wait3A_19 = tpu.memref_squeeze %dma_wait3A_18 : memref<1x128xi32, #tpu.memory_space<vmem>> -> memref<128xi32, #tpu.memory_space<vmem>>
        %dma_wait3A_20 = arith.constant 0 : i32
        %dma_wait3A_21 = tpu.memref_slice %arg8[%dma_wait3A_20] : memref<10240xf32, #tpu.memory_space<vmem_shared>> -> memref<10240xf32, #tpu.memory_space<vmem_shared>>
        tpu.wait_indirect_dma semaphore(%run_scoped3A : memref<!tpu.dma_semaphore, #tpu.memory_space<semaphore_mem>>) src(%arg7 : memref<128xf32, #tpu.memory_space<vmem>>) dst(%dma_wait3A_21 : memref<10240xf32, #tpu.memory_space<vmem_shared>>)
        tpu.yield
      }) : () -> ()
    }
    %scan3A_5 = arith.constant 79 : i32
    %barrier3A_6 = arith.constant 0 : index
    tpu.barrier barrier_id(%barrier3A_6)
    %mul3A_7 = arith.constant 640 : i32
    %mul3A_8 = arith.muli %arg1, %mul3A_7 : i32
    %mul3A_9 = arith.constant 10240 : i32
    %mul3A_10 = arith.muli %arg0, %mul3A_9 : i32
    %mul3A_11 = arith.constant 640 : i32
    %mul3A_12 = arith.muli %arg1, %mul3A_11 : i32
    %add3A = arith.addi %mul3A_10, %mul3A_12 : i32
    "tpu.region"() ({
      %run_scoped3A = tpu.sem_alloc : memref<!tpu.dma_semaphore, #tpu.memory_space<semaphore_mem>>
      %dma_start3A = tpu.memref_slice %arg5[%add3A] : memref<20480xf32, #tpu.memory_space<hbm>> -> memref<640xf32, #tpu.memory_space<hbm>>
      %dma_start3A_13 = tpu.memref_slice %arg8[%mul3A_8] : memref<10240xf32, #tpu.memory_space<vmem_shared>> -> memref<640xf32, #tpu.memory_space<vmem_shared>>
      tpu.enqueue_dma source(%dma_start3A_13 : memref<640xf32, #tpu.memory_space<vmem_shared>>) target(%dma_start3A : memref<640xf32, #tpu.memory_space<hbm>>) target_semaphore(%run_scoped3A : memref<!tpu.dma_semaphore, #tpu.memory_space<semaphore_mem>>)
      %dma_wait3A = tpu.memref_slice %arg5[%add3A] : memref<20480xf32, #tpu.memory_space<hbm>> -> memref<640xf32, #tpu.memory_space<hbm>>
      %dma_wait3A_14 = tpu.memref_slice %arg8[%mul3A_8] : memref<10240xf32, #tpu.memory_space<vmem_shared>> -> memref<640xf32, #tpu.memory_space<vmem_shared>>
      tpu.wait_dma2 semaphore(%run_scoped3A : memref<!tpu.dma_semaphore, #tpu.memory_space<semaphore_mem>>) src(%dma_wait3A_14 : memref<640xf32, #tpu.memory_space<vmem_shared>>) dst(%dma_wait3A : memref<640xf32, #tpu.memory_space<hbm>>)
      tpu.yield
    }) : () -> ()
    return
  }
}

#map = affine_map<(d0, d1) -> (0, 0)>
#map1 = affine_map<(d0, d1) -> (0, 0, 0)>
module attributes {stable_mosaic.version = 14 : i64} {
  func.func @k(%arg0: i32, %arg1: i32, %arg2: memref<10000x128xf32, #tpu.memory_space<hbm>>, %arg3: memref<16x94x128xi32, #tpu.memory_space<hbm>>, %arg4: memref<16x94x128xi32, #tpu.memory_space<hbm>>, %arg5: memref<16x63x128xi32, #tpu.memory_space<hbm>>, %arg6: memref<16x63x128xi32, #tpu.memory_space<hbm>>, %arg7: memref<640x128xf32, #tpu.memory_space<hbm>>, %arg8: memref<2x10240x128xf32, #tpu.memory_space<hbm>>, %arg9: memref<94x128xi32, #tpu.memory_space<vmem>>, %arg10: memref<94x128xi32, #tpu.memory_space<vmem>>, %arg11: memref<128x128xf32, #tpu.memory_space<vmem>>, %arg12: memref<10240x128xf32, #tpu.memory_space<vmem_shared>>, %arg13: memref<!tpu.dma_semaphore, #tpu.memory_space<semaphore_mem>>) attributes {dimension_semantics = [#tpu.dimension_semantics<core_parallel>, #tpu.dimension_semantics<subcore_parallel>], iteration_bounds = array<i64: 2, 16>, scalar_prefetch = 0 : i64, scratch_operands = 5 : i64, tpu.core_type = #tpu.core_type<sc_vector_subcore>, window_params = [{transform_indices = #map}, {transform_indices = #map1}, {transform_indices = #map1}, {transform_indices = #map1}, {transform_indices = #map1}, {transform_indices = #map}, {transform_indices = #map1}]} {
    %mul3A = arith.constant 640 : i32
    %mul3A_0 = arith.muli %arg1, %mul3A : i32
    "tpu.region"() ({
      %run_scoped3A = tpu.sem_alloc : memref<!tpu.dma_semaphore, #tpu.memory_space<semaphore_mem>>
      %dma_start3A = arith.constant 0 : i32
      %dma_start3A_12 = tpu.memref_slice %arg12[%mul3A_0, %dma_start3A] : memref<10240x128xf32, #tpu.memory_space<vmem_shared>> -> memref<640x128xf32, #tpu.memory_space<vmem_shared>>
      tpu.enqueue_dma source(%arg7 : memref<640x128xf32, #tpu.memory_space<hbm>>) target(%dma_start3A_12 : memref<640x128xf32, #tpu.memory_space<vmem_shared>>) target_semaphore(%run_scoped3A : memref<!tpu.dma_semaphore, #tpu.memory_space<semaphore_mem>>)
      %dma_wait3A = arith.constant 0 : i32
      %dma_wait3A_13 = tpu.memref_slice %arg12[%mul3A_0, %dma_wait3A] : memref<10240x128xf32, #tpu.memory_space<vmem_shared>> -> memref<640x128xf32, #tpu.memory_space<vmem_shared>>
      tpu.wait_dma2 semaphore(%run_scoped3A : memref<!tpu.dma_semaphore, #tpu.memory_space<semaphore_mem>>) src(%arg7 : memref<640x128xf32, #tpu.memory_space<hbm>>) dst(%dma_wait3A_13 : memref<640x128xf32, #tpu.memory_space<vmem_shared>>)
      tpu.yield
    }) : () -> ()
    %eq3A = arith.constant 0 : i32
    %eq3A_1 = arith.cmpi eq, %arg0, %eq3A : i32
    %convert_element_type3A = arith.extui %eq3A_1 : i1 to i32
    %cond3A = arith.constant 0 : i32
    %cond3A_2 = arith.cmpi ne, %convert_element_type3A, %cond3A : i32
    scf.if %cond3A_2 {
      "tpu.region"() ({
        %run_scoped3A = tpu.sem_alloc : memref<!tpu.dma_semaphore, #tpu.memory_space<semaphore_mem>>
        %dma_start3A = arith.constant 0 : i32
        %dma_start3A_18 = arith.constant 0 : i32
        %dma_start3A_19 = tpu.memref_slice %arg9[%dma_start3A, %dma_start3A_18] : memref<94x128xi32, #tpu.memory_space<vmem>> -> memref<94x128xi32, #tpu.memory_space<vmem>>
        %dma_start3A_20 = arith.constant 0 : i32
        %dma_start3A_21 = arith.constant 0 : i32
        %dma_start3A_22 = tpu.memref_slice %arg3[%arg1, %dma_start3A_20, %dma_start3A_21] : memref<16x94x128xi32, #tpu.memory_space<hbm>> -> memref<1x94x128xi32, #tpu.memory_space<hbm>>
        %dma_start3A_23 = tpu.memref_squeeze %dma_start3A_22 : memref<1x94x128xi32, #tpu.memory_space<hbm>> -> memref<94x128xi32, #tpu.memory_space<hbm>>
        %dma_start3A_24 = arith.constant 0 : i32
        %dma_start3A_25 = arith.constant 0 : i32
        %dma_start3A_26 = tpu.memref_slice %arg9[%dma_start3A_24, %dma_start3A_25] : memref<94x128xi32, #tpu.memory_space<vmem>> -> memref<94x128xi32, #tpu.memory_space<vmem>>
        %dma_start3A_27 = arith.constant 0 : i32
        %dma_start3A_28 = arith.constant 0 : i32
        %dma_start3A_29 = tpu.memref_slice %arg3[%arg1, %dma_start3A_27, %dma_start3A_28] : memref<16x94x128xi32, #tpu.memory_space<hbm>> -> memref<1x94x128xi32, #tpu.memory_space<hbm>>
        %dma_start3A_30 = tpu.memref_squeeze %dma_start3A_29 : memref<1x94x128xi32, #tpu.memory_space<hbm>> -> memref<94x128xi32, #tpu.memory_space<hbm>>
        tpu.enqueue_dma source(%dma_start3A_30 : memref<94x128xi32, #tpu.memory_space<hbm>>) target(%dma_start3A_26 : memref<94x128xi32, #tpu.memory_space<vmem>>) target_semaphore(%run_scoped3A : memref<!tpu.dma_semaphore, #tpu.memory_space<semaphore_mem>>)
        %dma_wait3A = arith.constant 0 : i32
        %dma_wait3A_31 = arith.constant 0 : i32
        %dma_wait3A_32 = tpu.memref_slice %arg9[%dma_wait3A, %dma_wait3A_31] : memref<94x128xi32, #tpu.memory_space<vmem>> -> memref<94x128xi32, #tpu.memory_space<vmem>>
        %dma_wait3A_33 = arith.constant 0 : i32
        %dma_wait3A_34 = arith.constant 0 : i32
        %dma_wait3A_35 = tpu.memref_slice %arg3[%arg1, %dma_wait3A_33, %dma_wait3A_34] : memref<16x94x128xi32, #tpu.memory_space<hbm>> -> memref<1x94x128xi32, #tpu.memory_space<hbm>>
        %dma_wait3A_36 = tpu.memref_squeeze %dma_wait3A_35 : memref<1x94x128xi32, #tpu.memory_space<hbm>> -> memref<94x128xi32, #tpu.memory_space<hbm>>
        %dma_wait3A_37 = arith.constant 0 : i32
        %dma_wait3A_38 = arith.constant 0 : i32
        %dma_wait3A_39 = tpu.memref_slice %arg9[%dma_wait3A_37, %dma_wait3A_38] : memref<94x128xi32, #tpu.memory_space<vmem>> -> memref<94x128xi32, #tpu.memory_space<vmem>>
        %dma_wait3A_40 = arith.constant 0 : i32
        %dma_wait3A_41 = arith.constant 0 : i32
        %dma_wait3A_42 = tpu.memref_slice %arg3[%arg1, %dma_wait3A_40, %dma_wait3A_41] : memref<16x94x128xi32, #tpu.memory_space<hbm>> -> memref<1x94x128xi32, #tpu.memory_space<hbm>>
        %dma_wait3A_43 = tpu.memref_squeeze %dma_wait3A_42 : memref<1x94x128xi32, #tpu.memory_space<hbm>> -> memref<94x128xi32, #tpu.memory_space<hbm>>
        tpu.wait_dma2 semaphore(%run_scoped3A : memref<!tpu.dma_semaphore, #tpu.memory_space<semaphore_mem>>) src(%dma_wait3A_43 : memref<94x128xi32, #tpu.memory_space<hbm>>) dst(%dma_wait3A_39 : memref<94x128xi32, #tpu.memory_space<vmem>>)
        tpu.yield
      }) : () -> ()
      "tpu.region"() ({
        %run_scoped3A = tpu.sem_alloc : memref<!tpu.dma_semaphore, #tpu.memory_space<semaphore_mem>>
        %dma_start3A = arith.constant 0 : i32
        %dma_start3A_18 = arith.constant 0 : i32
        %dma_start3A_19 = tpu.memref_slice %arg10[%dma_start3A, %dma_start3A_18] : memref<94x128xi32, #tpu.memory_space<vmem>> -> memref<94x128xi32, #tpu.memory_space<vmem>>
        %dma_start3A_20 = arith.constant 0 : i32
        %dma_start3A_21 = arith.constant 0 : i32
        %dma_start3A_22 = tpu.memref_slice %arg4[%arg1, %dma_start3A_20, %dma_start3A_21] : memref<16x94x128xi32, #tpu.memory_space<hbm>> -> memref<1x94x128xi32, #tpu.memory_space<hbm>>
        %dma_start3A_23 = tpu.memref_squeeze %dma_start3A_22 : memref<1x94x128xi32, #tpu.memory_space<hbm>> -> memref<94x128xi32, #tpu.memory_space<hbm>>
        %dma_start3A_24 = arith.constant 0 : i32
        %dma_start3A_25 = arith.constant 0 : i32
        %dma_start3A_26 = tpu.memref_slice %arg10[%dma_start3A_24, %dma_start3A_25] : memref<94x128xi32, #tpu.memory_space<vmem>> -> memref<94x128xi32, #tpu.memory_space<vmem>>
        %dma_start3A_27 = arith.constant 0 : i32
        %dma_start3A_28 = arith.constant 0 : i32
        %dma_start3A_29 = tpu.memref_slice %arg4[%arg1, %dma_start3A_27, %dma_start3A_28] : memref<16x94x128xi32, #tpu.memory_space<hbm>> -> memref<1x94x128xi32, #tpu.memory_space<hbm>>
        %dma_start3A_30 = tpu.memref_squeeze %dma_start3A_29 : memref<1x94x128xi32, #tpu.memory_space<hbm>> -> memref<94x128xi32, #tpu.memory_space<hbm>>
        tpu.enqueue_dma source(%dma_start3A_30 : memref<94x128xi32, #tpu.memory_space<hbm>>) target(%dma_start3A_26 : memref<94x128xi32, #tpu.memory_space<vmem>>) target_semaphore(%run_scoped3A : memref<!tpu.dma_semaphore, #tpu.memory_space<semaphore_mem>>)
        %dma_wait3A = arith.constant 0 : i32
        %dma_wait3A_31 = arith.constant 0 : i32
        %dma_wait3A_32 = tpu.memref_slice %arg10[%dma_wait3A, %dma_wait3A_31] : memref<94x128xi32, #tpu.memory_space<vmem>> -> memref<94x128xi32, #tpu.memory_space<vmem>>
        %dma_wait3A_33 = arith.constant 0 : i32
        %dma_wait3A_34 = arith.constant 0 : i32
        %dma_wait3A_35 = tpu.memref_slice %arg4[%arg1, %dma_wait3A_33, %dma_wait3A_34] : memref<16x94x128xi32, #tpu.memory_space<hbm>> -> memref<1x94x128xi32, #tpu.memory_space<hbm>>
        %dma_wait3A_36 = tpu.memref_squeeze %dma_wait3A_35 : memref<1x94x128xi32, #tpu.memory_space<hbm>> -> memref<94x128xi32, #tpu.memory_space<hbm>>
        %dma_wait3A_37 = arith.constant 0 : i32
        %dma_wait3A_38 = arith.constant 0 : i32
        %dma_wait3A_39 = tpu.memref_slice %arg10[%dma_wait3A_37, %dma_wait3A_38] : memref<94x128xi32, #tpu.memory_space<vmem>> -> memref<94x128xi32, #tpu.memory_space<vmem>>
        %dma_wait3A_40 = arith.constant 0 : i32
        %dma_wait3A_41 = arith.constant 0 : i32
        %dma_wait3A_42 = tpu.memref_slice %arg4[%arg1, %dma_wait3A_40, %dma_wait3A_41] : memref<16x94x128xi32, #tpu.memory_space<hbm>> -> memref<1x94x128xi32, #tpu.memory_space<hbm>>
        %dma_wait3A_43 = tpu.memref_squeeze %dma_wait3A_42 : memref<1x94x128xi32, #tpu.memory_space<hbm>> -> memref<94x128xi32, #tpu.memory_space<hbm>>
        tpu.wait_dma2 semaphore(%run_scoped3A : memref<!tpu.dma_semaphore, #tpu.memory_space<semaphore_mem>>) src(%dma_wait3A_43 : memref<94x128xi32, #tpu.memory_space<hbm>>) dst(%dma_wait3A_39 : memref<94x128xi32, #tpu.memory_space<vmem>>)
        tpu.yield
      }) : () -> ()
      %barrier3A_12 = arith.constant 0 : index
      tpu.barrier barrier_id(%barrier3A_12)
      %scan3A = arith.constant 0 : i32
      %scan3A_13 = arith.constant 0 : i32
      %scan3A_14 = arith.constant 94 : i32
      %scan3A_15 = arith.addi %scan3A_13, %scan3A_14 : i32
      %scan3A_16 = arith.constant 1 : i32
      scf.for %scan3A_18 = %scan3A_13 to %scan3A_15 step %scan3A_16  : i32 {
        %dma_start3A = arith.constant 0 : i32
        %dma_start3A_19 = tpu.memref_slice %arg9[%scan3A_18, %dma_start3A] : memref<94x128xi32, #tpu.memory_space<vmem>> -> memref<1x128xi32, #tpu.memory_space<vmem>>
        %dma_start3A_20 = tpu.memref_squeeze %dma_start3A_19 : memref<1x128xi32, #tpu.memory_space<vmem>> -> memref<128xi32, #tpu.memory_space<vmem>>
        %dma_start3A_21 = arith.constant 0 : i32
        %dma_start3A_22 = arith.constant 0 : i32
        %dma_start3A_23 = tpu.memref_slice %arg2[%dma_start3A_21, %dma_start3A_22] : memref<10000x128xf32, #tpu.memory_space<hbm>> -> memref<10000x128xf32, #tpu.memory_space<hbm>>
        tpu.enqueue_indirect_dma source(%dma_start3A_23 : memref<10000x128xf32, #tpu.memory_space<hbm>>) target(%arg11 : memref<128x128xf32, #tpu.memory_space<vmem>>) offsets(%dma_start3A_20 : memref<128xi32, #tpu.memory_space<vmem>>) semaphore(%arg13 : memref<!tpu.dma_semaphore, #tpu.memory_space<semaphore_mem>>)
        %dma_wait3A = arith.constant 0 : i32
        %dma_wait3A_24 = tpu.memref_slice %arg9[%scan3A_18, %dma_wait3A] : memref<94x128xi32, #tpu.memory_space<vmem>> -> memref<1x128xi32, #tpu.memory_space<vmem>>
        %dma_wait3A_25 = tpu.memref_squeeze %dma_wait3A_24 : memref<1x128xi32, #tpu.memory_space<vmem>> -> memref<128xi32, #tpu.memory_space<vmem>>
        %dma_wait3A_26 = arith.constant 0 : i32
        %dma_wait3A_27 = arith.constant 0 : i32
        %dma_wait3A_28 = tpu.memref_slice %arg2[%dma_wait3A_26, %dma_wait3A_27] : memref<10000x128xf32, #tpu.memory_space<hbm>> -> memref<10000x128xf32, #tpu.memory_space<hbm>>
        tpu.wait_indirect_dma semaphore(%arg13 : memref<!tpu.dma_semaphore, #tpu.memory_space<semaphore_mem>>) src(%dma_wait3A_28 : memref<10000x128xf32, #tpu.memory_space<hbm>>) dst(%arg11 : memref<128x128xf32, #tpu.memory_space<vmem>>)
        "tpu.region"() ({
          %run_scoped3A = tpu.sem_alloc : memref<!tpu.dma_semaphore, #tpu.memory_space<semaphore_mem>>
          %dma_start3A_29 = arith.constant 0 : i32
          %dma_start3A_30 = tpu.memref_slice %arg10[%scan3A_18, %dma_start3A_29] : memref<94x128xi32, #tpu.memory_space<vmem>> -> memref<1x128xi32, #tpu.memory_space<vmem>>
          %dma_start3A_31 = tpu.memref_squeeze %dma_start3A_30 : memref<1x128xi32, #tpu.memory_space<vmem>> -> memref<128xi32, #tpu.memory_space<vmem>>
          %dma_start3A_32 = arith.constant 0 : i32
          %dma_start3A_33 = arith.constant 0 : i32
          %dma_start3A_34 = tpu.memref_slice %arg12[%dma_start3A_32, %dma_start3A_33] : memref<10240x128xf32, #tpu.memory_space<vmem_shared>> -> memref<10240x128xf32, #tpu.memory_space<vmem_shared>>
          tpu.enqueue_indirect_dma source(%arg11 : memref<128x128xf32, #tpu.memory_space<vmem>>) target(%dma_start3A_34 : memref<10240x128xf32, #tpu.memory_space<vmem_shared>>) offsets(%dma_start3A_31 : memref<128xi32, #tpu.memory_space<vmem>>) semaphore(%run_scoped3A : memref<!tpu.dma_semaphore, #tpu.memory_space<semaphore_mem>>) {add = true}
          %dma_wait3A_35 = arith.constant 0 : i32
          %dma_wait3A_36 = tpu.memref_slice %arg10[%scan3A_18, %dma_wait3A_35] : memref<94x128xi32, #tpu.memory_space<vmem>> -> memref<1x128xi32, #tpu.memory_space<vmem>>
          %dma_wait3A_37 = tpu.memref_squeeze %dma_wait3A_36 : memref<1x128xi32, #tpu.memory_space<vmem>> -> memref<128xi32, #tpu.memory_space<vmem>>
          %dma_wait3A_38 = arith.constant 0 : i32
          %dma_wait3A_39 = arith.constant 0 : i32
          %dma_wait3A_40 = tpu.memref_slice %arg12[%dma_wait3A_38, %dma_wait3A_39] : memref<10240x128xf32, #tpu.memory_space<vmem_shared>> -> memref<10240x128xf32, #tpu.memory_space<vmem_shared>>
          tpu.wait_indirect_dma semaphore(%run_scoped3A : memref<!tpu.dma_semaphore, #tpu.memory_space<semaphore_mem>>) src(%arg11 : memref<128x128xf32, #tpu.memory_space<vmem>>) dst(%dma_wait3A_40 : memref<10240x128xf32, #tpu.memory_space<vmem_shared>>)
          tpu.yield
        }) : () -> ()
      }
      %scan3A_17 = arith.constant 94 : i32
    } else {
    }
    %eq3A_3 = arith.constant 1 : i32
    %eq3A_4 = arith.cmpi eq, %arg0, %eq3A_3 : i32
    %convert_element_type3A_5 = arith.extui %eq3A_4 : i1 to i32
    %cond3A_6 = arith.constant 0 : i32
    %cond3A_7 = arith.cmpi ne, %convert_element_type3A_5, %cond3A_6 : i32
    scf.if %cond3A_7 {
      "tpu.region"() ({
        %run_scoped3A = tpu.sem_alloc : memref<!tpu.dma_semaphore, #tpu.memory_space<semaphore_mem>>
        %dma_start3A = arith.constant 0 : i32
        %dma_start3A_18 = arith.constant 0 : i32
        %dma_start3A_19 = tpu.memref_slice %arg9[%dma_start3A, %dma_start3A_18] : memref<94x128xi32, #tpu.memory_space<vmem>> -> memref<63x128xi32, #tpu.memory_space<vmem>>
        %dma_start3A_20 = arith.constant 0 : i32
        %dma_start3A_21 = arith.constant 0 : i32
        %dma_start3A_22 = tpu.memref_slice %arg5[%arg1, %dma_start3A_20, %dma_start3A_21] : memref<16x63x128xi32, #tpu.memory_space<hbm>> -> memref<1x63x128xi32, #tpu.memory_space<hbm>>
        %dma_start3A_23 = tpu.memref_squeeze %dma_start3A_22 : memref<1x63x128xi32, #tpu.memory_space<hbm>> -> memref<63x128xi32, #tpu.memory_space<hbm>>
        %dma_start3A_24 = arith.constant 0 : i32
        %dma_start3A_25 = arith.constant 0 : i32
        %dma_start3A_26 = tpu.memref_slice %arg9[%dma_start3A_24, %dma_start3A_25] : memref<94x128xi32, #tpu.memory_space<vmem>> -> memref<63x128xi32, #tpu.memory_space<vmem>>
        %dma_start3A_27 = arith.constant 0 : i32
        %dma_start3A_28 = arith.constant 0 : i32
        %dma_start3A_29 = tpu.memref_slice %arg5[%arg1, %dma_start3A_27, %dma_start3A_28] : memref<16x63x128xi32, #tpu.memory_space<hbm>> -> memref<1x63x128xi32, #tpu.memory_space<hbm>>
        %dma_start3A_30 = tpu.memref_squeeze %dma_start3A_29 : memref<1x63x128xi32, #tpu.memory_space<hbm>> -> memref<63x128xi32, #tpu.memory_space<hbm>>
        tpu.enqueue_dma source(%dma_start3A_30 : memref<63x128xi32, #tpu.memory_space<hbm>>) target(%dma_start3A_26 : memref<63x128xi32, #tpu.memory_space<vmem>>) target_semaphore(%run_scoped3A : memref<!tpu.dma_semaphore, #tpu.memory_space<semaphore_mem>>)
        %dma_wait3A = arith.constant 0 : i32
        %dma_wait3A_31 = arith.constant 0 : i32
        %dma_wait3A_32 = tpu.memref_slice %arg9[%dma_wait3A, %dma_wait3A_31] : memref<94x128xi32, #tpu.memory_space<vmem>> -> memref<63x128xi32, #tpu.memory_space<vmem>>
        %dma_wait3A_33 = arith.constant 0 : i32
        %dma_wait3A_34 = arith.constant 0 : i32
        %dma_wait3A_35 = tpu.memref_slice %arg5[%arg1, %dma_wait3A_33, %dma_wait3A_34] : memref<16x63x128xi32, #tpu.memory_space<hbm>> -> memref<1x63x128xi32, #tpu.memory_space<hbm>>
        %dma_wait3A_36 = tpu.memref_squeeze %dma_wait3A_35 : memref<1x63x128xi32, #tpu.memory_space<hbm>> -> memref<63x128xi32, #tpu.memory_space<hbm>>
        %dma_wait3A_37 = arith.constant 0 : i32
        %dma_wait3A_38 = arith.constant 0 : i32
        %dma_wait3A_39 = tpu.memref_slice %arg9[%dma_wait3A_37, %dma_wait3A_38] : memref<94x128xi32, #tpu.memory_space<vmem>> -> memref<63x128xi32, #tpu.memory_space<vmem>>
        %dma_wait3A_40 = arith.constant 0 : i32
        %dma_wait3A_41 = arith.constant 0 : i32
        %dma_wait3A_42 = tpu.memref_slice %arg5[%arg1, %dma_wait3A_40, %dma_wait3A_41] : memref<16x63x128xi32, #tpu.memory_space<hbm>> -> memref<1x63x128xi32, #tpu.memory_space<hbm>>
        %dma_wait3A_43 = tpu.memref_squeeze %dma_wait3A_42 : memref<1x63x128xi32, #tpu.memory_space<hbm>> -> memref<63x128xi32, #tpu.memory_space<hbm>>
        tpu.wait_dma2 semaphore(%run_scoped3A : memref<!tpu.dma_semaphore, #tpu.memory_space<semaphore_mem>>) src(%dma_wait3A_43 : memref<63x128xi32, #tpu.memory_space<hbm>>) dst(%dma_wait3A_39 : memref<63x128xi32, #tpu.memory_space<vmem>>)
        tpu.yield
      }) : () -> ()
      "tpu.region"() ({
        %run_scoped3A = tpu.sem_alloc : memref<!tpu.dma_semaphore, #tpu.memory_space<semaphore_mem>>
        %dma_start3A = arith.constant 0 : i32
        %dma_start3A_18 = arith.constant 0 : i32
        %dma_start3A_19 = tpu.memref_slice %arg10[%dma_start3A, %dma_start3A_18] : memref<94x128xi32, #tpu.memory_space<vmem>> -> memref<63x128xi32, #tpu.memory_space<vmem>>
        %dma_start3A_20 = arith.constant 0 : i32
        %dma_start3A_21 = arith.constant 0 : i32
        %dma_start3A_22 = tpu.memref_slice %arg6[%arg1, %dma_start3A_20, %dma_start3A_21] : memref<16x63x128xi32, #tpu.memory_space<hbm>> -> memref<1x63x128xi32, #tpu.memory_space<hbm>>
        %dma_start3A_23 = tpu.memref_squeeze %dma_start3A_22 : memref<1x63x128xi32, #tpu.memory_space<hbm>> -> memref<63x128xi32, #tpu.memory_space<hbm>>
        %dma_start3A_24 = arith.constant 0 : i32
        %dma_start3A_25 = arith.constant 0 : i32
        %dma_start3A_26 = tpu.memref_slice %arg10[%dma_start3A_24, %dma_start3A_25] : memref<94x128xi32, #tpu.memory_space<vmem>> -> memref<63x128xi32, #tpu.memory_space<vmem>>
        %dma_start3A_27 = arith.constant 0 : i32
        %dma_start3A_28 = arith.constant 0 : i32
        %dma_start3A_29 = tpu.memref_slice %arg6[%arg1, %dma_start3A_27, %dma_start3A_28] : memref<16x63x128xi32, #tpu.memory_space<hbm>> -> memref<1x63x128xi32, #tpu.memory_space<hbm>>
        %dma_start3A_30 = tpu.memref_squeeze %dma_start3A_29 : memref<1x63x128xi32, #tpu.memory_space<hbm>> -> memref<63x128xi32, #tpu.memory_space<hbm>>
        tpu.enqueue_dma source(%dma_start3A_30 : memref<63x128xi32, #tpu.memory_space<hbm>>) target(%dma_start3A_26 : memref<63x128xi32, #tpu.memory_space<vmem>>) target_semaphore(%run_scoped3A : memref<!tpu.dma_semaphore, #tpu.memory_space<semaphore_mem>>)
        %dma_wait3A = arith.constant 0 : i32
        %dma_wait3A_31 = arith.constant 0 : i32
        %dma_wait3A_32 = tpu.memref_slice %arg10[%dma_wait3A, %dma_wait3A_31] : memref<94x128xi32, #tpu.memory_space<vmem>> -> memref<63x128xi32, #tpu.memory_space<vmem>>
        %dma_wait3A_33 = arith.constant 0 : i32
        %dma_wait3A_34 = arith.constant 0 : i32
        %dma_wait3A_35 = tpu.memref_slice %arg6[%arg1, %dma_wait3A_33, %dma_wait3A_34] : memref<16x63x128xi32, #tpu.memory_space<hbm>> -> memref<1x63x128xi32, #tpu.memory_space<hbm>>
        %dma_wait3A_36 = tpu.memref_squeeze %dma_wait3A_35 : memref<1x63x128xi32, #tpu.memory_space<hbm>> -> memref<63x128xi32, #tpu.memory_space<hbm>>
        %dma_wait3A_37 = arith.constant 0 : i32
        %dma_wait3A_38 = arith.constant 0 : i32
        %dma_wait3A_39 = tpu.memref_slice %arg10[%dma_wait3A_37, %dma_wait3A_38] : memref<94x128xi32, #tpu.memory_space<vmem>> -> memref<63x128xi32, #tpu.memory_space<vmem>>
        %dma_wait3A_40 = arith.constant 0 : i32
        %dma_wait3A_41 = arith.constant 0 : i32
        %dma_wait3A_42 = tpu.memref_slice %arg6[%arg1, %dma_wait3A_40, %dma_wait3A_41] : memref<16x63x128xi32, #tpu.memory_space<hbm>> -> memref<1x63x128xi32, #tpu.memory_space<hbm>>
        %dma_wait3A_43 = tpu.memref_squeeze %dma_wait3A_42 : memref<1x63x128xi32, #tpu.memory_space<hbm>> -> memref<63x128xi32, #tpu.memory_space<hbm>>
        tpu.wait_dma2 semaphore(%run_scoped3A : memref<!tpu.dma_semaphore, #tpu.memory_space<semaphore_mem>>) src(%dma_wait3A_43 : memref<63x128xi32, #tpu.memory_space<hbm>>) dst(%dma_wait3A_39 : memref<63x128xi32, #tpu.memory_space<vmem>>)
        tpu.yield
      }) : () -> ()
      %barrier3A_12 = arith.constant 0 : index
      tpu.barrier barrier_id(%barrier3A_12)
      %scan3A = arith.constant 0 : i32
      %scan3A_13 = arith.constant 0 : i32
      %scan3A_14 = arith.constant 63 : i32
      %scan3A_15 = arith.addi %scan3A_13, %scan3A_14 : i32
      %scan3A_16 = arith.constant 1 : i32
      scf.for %scan3A_18 = %scan3A_13 to %scan3A_15 step %scan3A_16  : i32 {
        %dma_start3A = arith.constant 0 : i32
        %dma_start3A_19 = tpu.memref_slice %arg9[%scan3A_18, %dma_start3A] : memref<94x128xi32, #tpu.memory_space<vmem>> -> memref<1x128xi32, #tpu.memory_space<vmem>>
        %dma_start3A_20 = tpu.memref_squeeze %dma_start3A_19 : memref<1x128xi32, #tpu.memory_space<vmem>> -> memref<128xi32, #tpu.memory_space<vmem>>
        %dma_start3A_21 = arith.constant 0 : i32
        %dma_start3A_22 = arith.constant 0 : i32
        %dma_start3A_23 = tpu.memref_slice %arg2[%dma_start3A_21, %dma_start3A_22] : memref<10000x128xf32, #tpu.memory_space<hbm>> -> memref<10000x128xf32, #tpu.memory_space<hbm>>
        tpu.enqueue_indirect_dma source(%dma_start3A_23 : memref<10000x128xf32, #tpu.memory_space<hbm>>) target(%arg11 : memref<128x128xf32, #tpu.memory_space<vmem>>) offsets(%dma_start3A_20 : memref<128xi32, #tpu.memory_space<vmem>>) semaphore(%arg13 : memref<!tpu.dma_semaphore, #tpu.memory_space<semaphore_mem>>)
        %dma_wait3A = arith.constant 0 : i32
        %dma_wait3A_24 = tpu.memref_slice %arg9[%scan3A_18, %dma_wait3A] : memref<94x128xi32, #tpu.memory_space<vmem>> -> memref<1x128xi32, #tpu.memory_space<vmem>>
        %dma_wait3A_25 = tpu.memref_squeeze %dma_wait3A_24 : memref<1x128xi32, #tpu.memory_space<vmem>> -> memref<128xi32, #tpu.memory_space<vmem>>
        %dma_wait3A_26 = arith.constant 0 : i32
        %dma_wait3A_27 = arith.constant 0 : i32
        %dma_wait3A_28 = tpu.memref_slice %arg2[%dma_wait3A_26, %dma_wait3A_27] : memref<10000x128xf32, #tpu.memory_space<hbm>> -> memref<10000x128xf32, #tpu.memory_space<hbm>>
        tpu.wait_indirect_dma semaphore(%arg13 : memref<!tpu.dma_semaphore, #tpu.memory_space<semaphore_mem>>) src(%dma_wait3A_28 : memref<10000x128xf32, #tpu.memory_space<hbm>>) dst(%arg11 : memref<128x128xf32, #tpu.memory_space<vmem>>)
        "tpu.region"() ({
          %run_scoped3A = tpu.sem_alloc : memref<!tpu.dma_semaphore, #tpu.memory_space<semaphore_mem>>
          %dma_start3A_29 = arith.constant 0 : i32
          %dma_start3A_30 = tpu.memref_slice %arg10[%scan3A_18, %dma_start3A_29] : memref<94x128xi32, #tpu.memory_space<vmem>> -> memref<1x128xi32, #tpu.memory_space<vmem>>
          %dma_start3A_31 = tpu.memref_squeeze %dma_start3A_30 : memref<1x128xi32, #tpu.memory_space<vmem>> -> memref<128xi32, #tpu.memory_space<vmem>>
          %dma_start3A_32 = arith.constant 0 : i32
          %dma_start3A_33 = arith.constant 0 : i32
          %dma_start3A_34 = tpu.memref_slice %arg12[%dma_start3A_32, %dma_start3A_33] : memref<10240x128xf32, #tpu.memory_space<vmem_shared>> -> memref<10240x128xf32, #tpu.memory_space<vmem_shared>>
          tpu.enqueue_indirect_dma source(%arg11 : memref<128x128xf32, #tpu.memory_space<vmem>>) target(%dma_start3A_34 : memref<10240x128xf32, #tpu.memory_space<vmem_shared>>) offsets(%dma_start3A_31 : memref<128xi32, #tpu.memory_space<vmem>>) semaphore(%run_scoped3A : memref<!tpu.dma_semaphore, #tpu.memory_space<semaphore_mem>>) {add = true}
          %dma_wait3A_35 = arith.constant 0 : i32
          %dma_wait3A_36 = tpu.memref_slice %arg10[%scan3A_18, %dma_wait3A_35] : memref<94x128xi32, #tpu.memory_space<vmem>> -> memref<1x128xi32, #tpu.memory_space<vmem>>
          %dma_wait3A_37 = tpu.memref_squeeze %dma_wait3A_36 : memref<1x128xi32, #tpu.memory_space<vmem>> -> memref<128xi32, #tpu.memory_space<vmem>>
          %dma_wait3A_38 = arith.constant 0 : i32
          %dma_wait3A_39 = arith.constant 0 : i32
          %dma_wait3A_40 = tpu.memref_slice %arg12[%dma_wait3A_38, %dma_wait3A_39] : memref<10240x128xf32, #tpu.memory_space<vmem_shared>> -> memref<10240x128xf32, #tpu.memory_space<vmem_shared>>
          tpu.wait_indirect_dma semaphore(%run_scoped3A : memref<!tpu.dma_semaphore, #tpu.memory_space<semaphore_mem>>) src(%arg11 : memref<128x128xf32, #tpu.memory_space<vmem>>) dst(%dma_wait3A_40 : memref<10240x128xf32, #tpu.memory_space<vmem_shared>>)
          tpu.yield
        }) : () -> ()
      }
      %scan3A_17 = arith.constant 63 : i32
    } else {
    }
    %barrier3A = arith.constant 0 : index
    tpu.barrier barrier_id(%barrier3A)
    %mul3A_8 = arith.constant 640 : i32
    %mul3A_9 = arith.muli %arg1, %mul3A_8 : i32
    %mul3A_10 = arith.constant 640 : i32
    %mul3A_11 = arith.muli %arg1, %mul3A_10 : i32
    "tpu.region"() ({
      %run_scoped3A = tpu.sem_alloc : memref<!tpu.dma_semaphore, #tpu.memory_space<semaphore_mem>>
      %dma_start3A = arith.constant 0 : i32
      %dma_start3A_12 = tpu.memref_slice %arg8[%arg0, %mul3A_11, %dma_start3A] : memref<2x10240x128xf32, #tpu.memory_space<hbm>> -> memref<1x640x128xf32, #tpu.memory_space<hbm>>
      %dma_start3A_13 = tpu.memref_squeeze %dma_start3A_12 : memref<1x640x128xf32, #tpu.memory_space<hbm>> -> memref<640x128xf32, #tpu.memory_space<hbm>>
      %dma_start3A_14 = arith.constant 0 : i32
      %dma_start3A_15 = tpu.memref_slice %arg12[%mul3A_9, %dma_start3A_14] : memref<10240x128xf32, #tpu.memory_space<vmem_shared>> -> memref<640x128xf32, #tpu.memory_space<vmem_shared>>
      tpu.enqueue_dma source(%dma_start3A_15 : memref<640x128xf32, #tpu.memory_space<vmem_shared>>) target(%dma_start3A_13 : memref<640x128xf32, #tpu.memory_space<hbm>>) target_semaphore(%run_scoped3A : memref<!tpu.dma_semaphore, #tpu.memory_space<semaphore_mem>>)
      %dma_wait3A = arith.constant 0 : i32
      %dma_wait3A_16 = tpu.memref_slice %arg8[%arg0, %mul3A_11, %dma_wait3A] : memref<2x10240x128xf32, #tpu.memory_space<hbm>> -> memref<1x640x128xf32, #tpu.memory_space<hbm>>
      %dma_wait3A_17 = tpu.memref_squeeze %dma_wait3A_16 : memref<1x640x128xf32, #tpu.memory_space<hbm>> -> memref<640x128xf32, #tpu.memory_space<hbm>>
      %dma_wait3A_18 = arith.constant 0 : i32
      %dma_wait3A_19 = tpu.memref_slice %arg12[%mul3A_9, %dma_wait3A_18] : memref<10240x128xf32, #tpu.memory_space<vmem_shared>> -> memref<640x128xf32, #tpu.memory_space<vmem_shared>>
      tpu.wait_dma2 semaphore(%run_scoped3A : memref<!tpu.dma_semaphore, #tpu.memory_space<semaphore_mem>>) src(%dma_wait3A_19 : memref<640x128xf32, #tpu.memory_space<vmem_shared>>) dst(%dma_wait3A_17 : memref<640x128xf32, #tpu.memory_space<hbm>>)
      tpu.yield
    }) : () -> ()
    return
  }
}

#map = affine_map<(d0, d1) -> (0, 0)>
#map1 = affine_map<(d0, d1) -> (0, 0, 0)>
module attributes {stable_mosaic.version = 14 : i64} {
  func.func @k(%arg0: i32, %arg1: i32, %arg2: memref<10000x128xf32, #tpu.memory_space<hbm>>, %arg3: memref<16x94x128xi32, #tpu.memory_space<hbm>>, %arg4: memref<16x94x128xi32, #tpu.memory_space<hbm>>, %arg5: memref<16x63x128xi32, #tpu.memory_space<hbm>>, %arg6: memref<16x63x128xi32, #tpu.memory_space<hbm>>, %arg7: memref<640x128xf32, #tpu.memory_space<hbm>>, %arg8: memref<2x10240x128xf32, #tpu.memory_space<hbm>>, %arg9: memref<94x128xi32, #tpu.memory_space<vmem>>, %arg10: memref<94x128xi32, #tpu.memory_space<vmem>>, %arg11: memref<128x128xf32, #tpu.memory_space<vmem>>, %arg12: memref<10240x128xf32, #tpu.memory_space<vmem_shared>>, %arg13: memref<!tpu.dma_semaphore, #tpu.memory_space<semaphore_mem>>) attributes {dimension_semantics = [#tpu.dimension_semantics<core_parallel>, #tpu.dimension_semantics<subcore_parallel>], iteration_bounds = array<i64: 2, 16>, scalar_prefetch = 0 : i64, scratch_operands = 5 : i64, tpu.core_type = #tpu.core_type<sc_vector_subcore>, window_params = [{transform_indices = #map}, {transform_indices = #map1}, {transform_indices = #map1}, {transform_indices = #map1}, {transform_indices = #map1}, {transform_indices = #map}, {transform_indices = #map1}]} {
    %mul3A = arith.constant 640 : i32
    %mul3A_0 = arith.muli %arg1, %mul3A : i32
    "tpu.region"() ({
      %run_scoped3A = tpu.sem_alloc : memref<!tpu.dma_semaphore, #tpu.memory_space<semaphore_mem>>
      %dma_start3A = arith.constant 0 : i32
      %dma_start3A_12 = tpu.memref_slice %arg12[%mul3A_0, %dma_start3A] : memref<10240x128xf32, #tpu.memory_space<vmem_shared>> -> memref<640x128xf32, #tpu.memory_space<vmem_shared>>
      tpu.enqueue_dma source(%arg7 : memref<640x128xf32, #tpu.memory_space<hbm>>) target(%dma_start3A_12 : memref<640x128xf32, #tpu.memory_space<vmem_shared>>) target_semaphore(%run_scoped3A : memref<!tpu.dma_semaphore, #tpu.memory_space<semaphore_mem>>)
      %dma_wait3A = arith.constant 0 : i32
      %dma_wait3A_13 = tpu.memref_slice %arg12[%mul3A_0, %dma_wait3A] : memref<10240x128xf32, #tpu.memory_space<vmem_shared>> -> memref<640x128xf32, #tpu.memory_space<vmem_shared>>
      tpu.wait_dma2 semaphore(%run_scoped3A : memref<!tpu.dma_semaphore, #tpu.memory_space<semaphore_mem>>) src(%arg7 : memref<640x128xf32, #tpu.memory_space<hbm>>) dst(%dma_wait3A_13 : memref<640x128xf32, #tpu.memory_space<vmem_shared>>)
      tpu.yield
    }) : () -> ()
    %eq3A = arith.constant 0 : i32
    %eq3A_1 = arith.cmpi eq, %arg0, %eq3A : i32
    %convert_element_type3A = arith.extui %eq3A_1 : i1 to i32
    %cond3A = arith.constant 0 : i32
    %cond3A_2 = arith.cmpi ne, %convert_element_type3A, %cond3A : i32
    scf.if %cond3A_2 {
      "tpu.region"() ({
        %run_scoped3A = tpu.sem_alloc : memref<!tpu.dma_semaphore, #tpu.memory_space<semaphore_mem>>
        %dma_start3A = arith.constant 0 : i32
        %dma_start3A_18 = arith.constant 0 : i32
        %dma_start3A_19 = tpu.memref_slice %arg9[%dma_start3A, %dma_start3A_18] : memref<94x128xi32, #tpu.memory_space<vmem>> -> memref<94x128xi32, #tpu.memory_space<vmem>>
        %dma_start3A_20 = arith.constant 0 : i32
        %dma_start3A_21 = arith.constant 0 : i32
        %dma_start3A_22 = tpu.memref_slice %arg3[%arg1, %dma_start3A_20, %dma_start3A_21] : memref<16x94x128xi32, #tpu.memory_space<hbm>> -> memref<1x94x128xi32, #tpu.memory_space<hbm>>
        %dma_start3A_23 = tpu.memref_squeeze %dma_start3A_22 : memref<1x94x128xi32, #tpu.memory_space<hbm>> -> memref<94x128xi32, #tpu.memory_space<hbm>>
        %dma_start3A_24 = arith.constant 0 : i32
        %dma_start3A_25 = arith.constant 0 : i32
        %dma_start3A_26 = tpu.memref_slice %arg9[%dma_start3A_24, %dma_start3A_25] : memref<94x128xi32, #tpu.memory_space<vmem>> -> memref<94x128xi32, #tpu.memory_space<vmem>>
        %dma_start3A_27 = arith.constant 0 : i32
        %dma_start3A_28 = arith.constant 0 : i32
        %dma_start3A_29 = tpu.memref_slice %arg3[%arg1, %dma_start3A_27, %dma_start3A_28] : memref<16x94x128xi32, #tpu.memory_space<hbm>> -> memref<1x94x128xi32, #tpu.memory_space<hbm>>
        %dma_start3A_30 = tpu.memref_squeeze %dma_start3A_29 : memref<1x94x128xi32, #tpu.memory_space<hbm>> -> memref<94x128xi32, #tpu.memory_space<hbm>>
        tpu.enqueue_dma source(%dma_start3A_30 : memref<94x128xi32, #tpu.memory_space<hbm>>) target(%dma_start3A_26 : memref<94x128xi32, #tpu.memory_space<vmem>>) target_semaphore(%run_scoped3A : memref<!tpu.dma_semaphore, #tpu.memory_space<semaphore_mem>>)
        %dma_wait3A = arith.constant 0 : i32
        %dma_wait3A_31 = arith.constant 0 : i32
        %dma_wait3A_32 = tpu.memref_slice %arg9[%dma_wait3A, %dma_wait3A_31] : memref<94x128xi32, #tpu.memory_space<vmem>> -> memref<94x128xi32, #tpu.memory_space<vmem>>
        %dma_wait3A_33 = arith.constant 0 : i32
        %dma_wait3A_34 = arith.constant 0 : i32
        %dma_wait3A_35 = tpu.memref_slice %arg3[%arg1, %dma_wait3A_33, %dma_wait3A_34] : memref<16x94x128xi32, #tpu.memory_space<hbm>> -> memref<1x94x128xi32, #tpu.memory_space<hbm>>
        %dma_wait3A_36 = tpu.memref_squeeze %dma_wait3A_35 : memref<1x94x128xi32, #tpu.memory_space<hbm>> -> memref<94x128xi32, #tpu.memory_space<hbm>>
        %dma_wait3A_37 = arith.constant 0 : i32
        %dma_wait3A_38 = arith.constant 0 : i32
        %dma_wait3A_39 = tpu.memref_slice %arg9[%dma_wait3A_37, %dma_wait3A_38] : memref<94x128xi32, #tpu.memory_space<vmem>> -> memref<94x128xi32, #tpu.memory_space<vmem>>
        %dma_wait3A_40 = arith.constant 0 : i32
        %dma_wait3A_41 = arith.constant 0 : i32
        %dma_wait3A_42 = tpu.memref_slice %arg3[%arg1, %dma_wait3A_40, %dma_wait3A_41] : memref<16x94x128xi32, #tpu.memory_space<hbm>> -> memref<1x94x128xi32, #tpu.memory_space<hbm>>
        %dma_wait3A_43 = tpu.memref_squeeze %dma_wait3A_42 : memref<1x94x128xi32, #tpu.memory_space<hbm>> -> memref<94x128xi32, #tpu.memory_space<hbm>>
        tpu.wait_dma2 semaphore(%run_scoped3A : memref<!tpu.dma_semaphore, #tpu.memory_space<semaphore_mem>>) src(%dma_wait3A_43 : memref<94x128xi32, #tpu.memory_space<hbm>>) dst(%dma_wait3A_39 : memref<94x128xi32, #tpu.memory_space<vmem>>)
        tpu.yield
      }) : () -> ()
      "tpu.region"() ({
        %run_scoped3A = tpu.sem_alloc : memref<!tpu.dma_semaphore, #tpu.memory_space<semaphore_mem>>
        %dma_start3A = arith.constant 0 : i32
        %dma_start3A_18 = arith.constant 0 : i32
        %dma_start3A_19 = tpu.memref_slice %arg10[%dma_start3A, %dma_start3A_18] : memref<94x128xi32, #tpu.memory_space<vmem>> -> memref<94x128xi32, #tpu.memory_space<vmem>>
        %dma_start3A_20 = arith.constant 0 : i32
        %dma_start3A_21 = arith.constant 0 : i32
        %dma_start3A_22 = tpu.memref_slice %arg4[%arg1, %dma_start3A_20, %dma_start3A_21] : memref<16x94x128xi32, #tpu.memory_space<hbm>> -> memref<1x94x128xi32, #tpu.memory_space<hbm>>
        %dma_start3A_23 = tpu.memref_squeeze %dma_start3A_22 : memref<1x94x128xi32, #tpu.memory_space<hbm>> -> memref<94x128xi32, #tpu.memory_space<hbm>>
        %dma_start3A_24 = arith.constant 0 : i32
        %dma_start3A_25 = arith.constant 0 : i32
        %dma_start3A_26 = tpu.memref_slice %arg10[%dma_start3A_24, %dma_start3A_25] : memref<94x128xi32, #tpu.memory_space<vmem>> -> memref<94x128xi32, #tpu.memory_space<vmem>>
        %dma_start3A_27 = arith.constant 0 : i32
        %dma_start3A_28 = arith.constant 0 : i32
        %dma_start3A_29 = tpu.memref_slice %arg4[%arg1, %dma_start3A_27, %dma_start3A_28] : memref<16x94x128xi32, #tpu.memory_space<hbm>> -> memref<1x94x128xi32, #tpu.memory_space<hbm>>
        %dma_start3A_30 = tpu.memref_squeeze %dma_start3A_29 : memref<1x94x128xi32, #tpu.memory_space<hbm>> -> memref<94x128xi32, #tpu.memory_space<hbm>>
        tpu.enqueue_dma source(%dma_start3A_30 : memref<94x128xi32, #tpu.memory_space<hbm>>) target(%dma_start3A_26 : memref<94x128xi32, #tpu.memory_space<vmem>>) target_semaphore(%run_scoped3A : memref<!tpu.dma_semaphore, #tpu.memory_space<semaphore_mem>>)
        %dma_wait3A = arith.constant 0 : i32
        %dma_wait3A_31 = arith.constant 0 : i32
        %dma_wait3A_32 = tpu.memref_slice %arg10[%dma_wait3A, %dma_wait3A_31] : memref<94x128xi32, #tpu.memory_space<vmem>> -> memref<94x128xi32, #tpu.memory_space<vmem>>
        %dma_wait3A_33 = arith.constant 0 : i32
        %dma_wait3A_34 = arith.constant 0 : i32
        %dma_wait3A_35 = tpu.memref_slice %arg4[%arg1, %dma_wait3A_33, %dma_wait3A_34] : memref<16x94x128xi32, #tpu.memory_space<hbm>> -> memref<1x94x128xi32, #tpu.memory_space<hbm>>
        %dma_wait3A_36 = tpu.memref_squeeze %dma_wait3A_35 : memref<1x94x128xi32, #tpu.memory_space<hbm>> -> memref<94x128xi32, #tpu.memory_space<hbm>>
        %dma_wait3A_37 = arith.constant 0 : i32
        %dma_wait3A_38 = arith.constant 0 : i32
        %dma_wait3A_39 = tpu.memref_slice %arg10[%dma_wait3A_37, %dma_wait3A_38] : memref<94x128xi32, #tpu.memory_space<vmem>> -> memref<94x128xi32, #tpu.memory_space<vmem>>
        %dma_wait3A_40 = arith.constant 0 : i32
        %dma_wait3A_41 = arith.constant 0 : i32
        %dma_wait3A_42 = tpu.memref_slice %arg4[%arg1, %dma_wait3A_40, %dma_wait3A_41] : memref<16x94x128xi32, #tpu.memory_space<hbm>> -> memref<1x94x128xi32, #tpu.memory_space<hbm>>
        %dma_wait3A_43 = tpu.memref_squeeze %dma_wait3A_42 : memref<1x94x128xi32, #tpu.memory_space<hbm>> -> memref<94x128xi32, #tpu.memory_space<hbm>>
        tpu.wait_dma2 semaphore(%run_scoped3A : memref<!tpu.dma_semaphore, #tpu.memory_space<semaphore_mem>>) src(%dma_wait3A_43 : memref<94x128xi32, #tpu.memory_space<hbm>>) dst(%dma_wait3A_39 : memref<94x128xi32, #tpu.memory_space<vmem>>)
        tpu.yield
      }) : () -> ()
      %barrier3A_12 = arith.constant 0 : index
      tpu.barrier barrier_id(%barrier3A_12)
      %scan3A = arith.constant 0 : i32
      %scan3A_13 = arith.constant 0 : i32
      %scan3A_14 = arith.constant 94 : i32
      %scan3A_15 = arith.addi %scan3A_13, %scan3A_14 : i32
      %scan3A_16 = arith.constant 1 : i32
      scf.for %scan3A_18 = %scan3A_13 to %scan3A_15 step %scan3A_16  : i32 {
        %dma_start3A = arith.constant 0 : i32
        %dma_start3A_19 = tpu.memref_slice %arg9[%scan3A_18, %dma_start3A] : memref<94x128xi32, #tpu.memory_space<vmem>> -> memref<1x128xi32, #tpu.memory_space<vmem>>
        %dma_start3A_20 = tpu.memref_squeeze %dma_start3A_19 : memref<1x128xi32, #tpu.memory_space<vmem>> -> memref<128xi32, #tpu.memory_space<vmem>>
        %dma_start3A_21 = arith.constant 0 : i32
        %dma_start3A_22 = arith.constant 0 : i32
        %dma_start3A_23 = tpu.memref_slice %arg2[%dma_start3A_21, %dma_start3A_22] : memref<10000x128xf32, #tpu.memory_space<hbm>> -> memref<10000x128xf32, #tpu.memory_space<hbm>>
        tpu.enqueue_indirect_dma source(%dma_start3A_23 : memref<10000x128xf32, #tpu.memory_space<hbm>>) target(%arg11 : memref<128x128xf32, #tpu.memory_space<vmem>>) offsets(%dma_start3A_20 : memref<128xi32, #tpu.memory_space<vmem>>) semaphore(%arg13 : memref<!tpu.dma_semaphore, #tpu.memory_space<semaphore_mem>>)
        %dma_wait3A = arith.constant 0 : i32
        %dma_wait3A_24 = tpu.memref_slice %arg9[%scan3A_18, %dma_wait3A] : memref<94x128xi32, #tpu.memory_space<vmem>> -> memref<1x128xi32, #tpu.memory_space<vmem>>
        %dma_wait3A_25 = tpu.memref_squeeze %dma_wait3A_24 : memref<1x128xi32, #tpu.memory_space<vmem>> -> memref<128xi32, #tpu.memory_space<vmem>>
        %dma_wait3A_26 = arith.constant 0 : i32
        %dma_wait3A_27 = arith.constant 0 : i32
        %dma_wait3A_28 = tpu.memref_slice %arg2[%dma_wait3A_26, %dma_wait3A_27] : memref<10000x128xf32, #tpu.memory_space<hbm>> -> memref<10000x128xf32, #tpu.memory_space<hbm>>
        tpu.wait_indirect_dma semaphore(%arg13 : memref<!tpu.dma_semaphore, #tpu.memory_space<semaphore_mem>>) src(%dma_wait3A_28 : memref<10000x128xf32, #tpu.memory_space<hbm>>) dst(%arg11 : memref<128x128xf32, #tpu.memory_space<vmem>>)
        "tpu.region"() ({
          %run_scoped3A = tpu.sem_alloc : memref<!tpu.dma_semaphore, #tpu.memory_space<semaphore_mem>>
          %dma_start3A_29 = arith.constant 0 : i32
          %dma_start3A_30 = tpu.memref_slice %arg10[%scan3A_18, %dma_start3A_29] : memref<94x128xi32, #tpu.memory_space<vmem>> -> memref<1x128xi32, #tpu.memory_space<vmem>>
          %dma_start3A_31 = tpu.memref_squeeze %dma_start3A_30 : memref<1x128xi32, #tpu.memory_space<vmem>> -> memref<128xi32, #tpu.memory_space<vmem>>
          %dma_start3A_32 = arith.constant 0 : i32
          %dma_start3A_33 = arith.constant 0 : i32
          %dma_start3A_34 = tpu.memref_slice %arg12[%dma_start3A_32, %dma_start3A_33] : memref<10240x128xf32, #tpu.memory_space<vmem_shared>> -> memref<10240x128xf32, #tpu.memory_space<vmem_shared>>
          tpu.enqueue_indirect_dma source(%arg11 : memref<128x128xf32, #tpu.memory_space<vmem>>) target(%dma_start3A_34 : memref<10240x128xf32, #tpu.memory_space<vmem_shared>>) offsets(%dma_start3A_31 : memref<128xi32, #tpu.memory_space<vmem>>) semaphore(%run_scoped3A : memref<!tpu.dma_semaphore, #tpu.memory_space<semaphore_mem>>) {add = true}
          %dma_wait3A_35 = arith.constant 0 : i32
          %dma_wait3A_36 = tpu.memref_slice %arg10[%scan3A_18, %dma_wait3A_35] : memref<94x128xi32, #tpu.memory_space<vmem>> -> memref<1x128xi32, #tpu.memory_space<vmem>>
          %dma_wait3A_37 = tpu.memref_squeeze %dma_wait3A_36 : memref<1x128xi32, #tpu.memory_space<vmem>> -> memref<128xi32, #tpu.memory_space<vmem>>
          %dma_wait3A_38 = arith.constant 0 : i32
          %dma_wait3A_39 = arith.constant 0 : i32
          %dma_wait3A_40 = tpu.memref_slice %arg12[%dma_wait3A_38, %dma_wait3A_39] : memref<10240x128xf32, #tpu.memory_space<vmem_shared>> -> memref<10240x128xf32, #tpu.memory_space<vmem_shared>>
          tpu.wait_indirect_dma semaphore(%run_scoped3A : memref<!tpu.dma_semaphore, #tpu.memory_space<semaphore_mem>>) src(%arg11 : memref<128x128xf32, #tpu.memory_space<vmem>>) dst(%dma_wait3A_40 : memref<10240x128xf32, #tpu.memory_space<vmem_shared>>)
          tpu.yield
        }) : () -> ()
      }
      %scan3A_17 = arith.constant 94 : i32
    } else {
    }
    %eq3A_3 = arith.constant 1 : i32
    %eq3A_4 = arith.cmpi eq, %arg0, %eq3A_3 : i32
    %convert_element_type3A_5 = arith.extui %eq3A_4 : i1 to i32
    %cond3A_6 = arith.constant 0 : i32
    %cond3A_7 = arith.cmpi ne, %convert_element_type3A_5, %cond3A_6 : i32
    scf.if %cond3A_7 {
      "tpu.region"() ({
        %run_scoped3A = tpu.sem_alloc : memref<!tpu.dma_semaphore, #tpu.memory_space<semaphore_mem>>
        %dma_start3A = arith.constant 0 : i32
        %dma_start3A_18 = arith.constant 0 : i32
        %dma_start3A_19 = tpu.memref_slice %arg9[%dma_start3A, %dma_start3A_18] : memref<94x128xi32, #tpu.memory_space<vmem>> -> memref<63x128xi32, #tpu.memory_space<vmem>>
        %dma_start3A_20 = arith.constant 0 : i32
        %dma_start3A_21 = arith.constant 0 : i32
        %dma_start3A_22 = tpu.memref_slice %arg5[%arg1, %dma_start3A_20, %dma_start3A_21] : memref<16x63x128xi32, #tpu.memory_space<hbm>> -> memref<1x63x128xi32, #tpu.memory_space<hbm>>
        %dma_start3A_23 = tpu.memref_squeeze %dma_start3A_22 : memref<1x63x128xi32, #tpu.memory_space<hbm>> -> memref<63x128xi32, #tpu.memory_space<hbm>>
        %dma_start3A_24 = arith.constant 0 : i32
        %dma_start3A_25 = arith.constant 0 : i32
        %dma_start3A_26 = tpu.memref_slice %arg9[%dma_start3A_24, %dma_start3A_25] : memref<94x128xi32, #tpu.memory_space<vmem>> -> memref<63x128xi32, #tpu.memory_space<vmem>>
        %dma_start3A_27 = arith.constant 0 : i32
        %dma_start3A_28 = arith.constant 0 : i32
        %dma_start3A_29 = tpu.memref_slice %arg5[%arg1, %dma_start3A_27, %dma_start3A_28] : memref<16x63x128xi32, #tpu.memory_space<hbm>> -> memref<1x63x128xi32, #tpu.memory_space<hbm>>
        %dma_start3A_30 = tpu.memref_squeeze %dma_start3A_29 : memref<1x63x128xi32, #tpu.memory_space<hbm>> -> memref<63x128xi32, #tpu.memory_space<hbm>>
        tpu.enqueue_dma source(%dma_start3A_30 : memref<63x128xi32, #tpu.memory_space<hbm>>) target(%dma_start3A_26 : memref<63x128xi32, #tpu.memory_space<vmem>>) target_semaphore(%run_scoped3A : memref<!tpu.dma_semaphore, #tpu.memory_space<semaphore_mem>>)
        %dma_wait3A = arith.constant 0 : i32
        %dma_wait3A_31 = arith.constant 0 : i32
        %dma_wait3A_32 = tpu.memref_slice %arg9[%dma_wait3A, %dma_wait3A_31] : memref<94x128xi32, #tpu.memory_space<vmem>> -> memref<63x128xi32, #tpu.memory_space<vmem>>
        %dma_wait3A_33 = arith.constant 0 : i32
        %dma_wait3A_34 = arith.constant 0 : i32
        %dma_wait3A_35 = tpu.memref_slice %arg5[%arg1, %dma_wait3A_33, %dma_wait3A_34] : memref<16x63x128xi32, #tpu.memory_space<hbm>> -> memref<1x63x128xi32, #tpu.memory_space<hbm>>
        %dma_wait3A_36 = tpu.memref_squeeze %dma_wait3A_35 : memref<1x63x128xi32, #tpu.memory_space<hbm>> -> memref<63x128xi32, #tpu.memory_space<hbm>>
        %dma_wait3A_37 = arith.constant 0 : i32
        %dma_wait3A_38 = arith.constant 0 : i32
        %dma_wait3A_39 = tpu.memref_slice %arg9[%dma_wait3A_37, %dma_wait3A_38] : memref<94x128xi32, #tpu.memory_space<vmem>> -> memref<63x128xi32, #tpu.memory_space<vmem>>
        %dma_wait3A_40 = arith.constant 0 : i32
        %dma_wait3A_41 = arith.constant 0 : i32
        %dma_wait3A_42 = tpu.memref_slice %arg5[%arg1, %dma_wait3A_40, %dma_wait3A_41] : memref<16x63x128xi32, #tpu.memory_space<hbm>> -> memref<1x63x128xi32, #tpu.memory_space<hbm>>
        %dma_wait3A_43 = tpu.memref_squeeze %dma_wait3A_42 : memref<1x63x128xi32, #tpu.memory_space<hbm>> -> memref<63x128xi32, #tpu.memory_space<hbm>>
        tpu.wait_dma2 semaphore(%run_scoped3A : memref<!tpu.dma_semaphore, #tpu.memory_space<semaphore_mem>>) src(%dma_wait3A_43 : memref<63x128xi32, #tpu.memory_space<hbm>>) dst(%dma_wait3A_39 : memref<63x128xi32, #tpu.memory_space<vmem>>)
        tpu.yield
      }) : () -> ()
      "tpu.region"() ({
        %run_scoped3A = tpu.sem_alloc : memref<!tpu.dma_semaphore, #tpu.memory_space<semaphore_mem>>
        %dma_start3A = arith.constant 0 : i32
        %dma_start3A_18 = arith.constant 0 : i32
        %dma_start3A_19 = tpu.memref_slice %arg10[%dma_start3A, %dma_start3A_18] : memref<94x128xi32, #tpu.memory_space<vmem>> -> memref<63x128xi32, #tpu.memory_space<vmem>>
        %dma_start3A_20 = arith.constant 0 : i32
        %dma_start3A_21 = arith.constant 0 : i32
        %dma_start3A_22 = tpu.memref_slice %arg6[%arg1, %dma_start3A_20, %dma_start3A_21] : memref<16x63x128xi32, #tpu.memory_space<hbm>> -> memref<1x63x128xi32, #tpu.memory_space<hbm>>
        %dma_start3A_23 = tpu.memref_squeeze %dma_start3A_22 : memref<1x63x128xi32, #tpu.memory_space<hbm>> -> memref<63x128xi32, #tpu.memory_space<hbm>>
        %dma_start3A_24 = arith.constant 0 : i32
        %dma_start3A_25 = arith.constant 0 : i32
        %dma_start3A_26 = tpu.memref_slice %arg10[%dma_start3A_24, %dma_start3A_25] : memref<94x128xi32, #tpu.memory_space<vmem>> -> memref<63x128xi32, #tpu.memory_space<vmem>>
        %dma_start3A_27 = arith.constant 0 : i32
        %dma_start3A_28 = arith.constant 0 : i32
        %dma_start3A_29 = tpu.memref_slice %arg6[%arg1, %dma_start3A_27, %dma_start3A_28] : memref<16x63x128xi32, #tpu.memory_space<hbm>> -> memref<1x63x128xi32, #tpu.memory_space<hbm>>
        %dma_start3A_30 = tpu.memref_squeeze %dma_start3A_29 : memref<1x63x128xi32, #tpu.memory_space<hbm>> -> memref<63x128xi32, #tpu.memory_space<hbm>>
        tpu.enqueue_dma source(%dma_start3A_30 : memref<63x128xi32, #tpu.memory_space<hbm>>) target(%dma_start3A_26 : memref<63x128xi32, #tpu.memory_space<vmem>>) target_semaphore(%run_scoped3A : memref<!tpu.dma_semaphore, #tpu.memory_space<semaphore_mem>>)
        %dma_wait3A = arith.constant 0 : i32
        %dma_wait3A_31 = arith.constant 0 : i32
        %dma_wait3A_32 = tpu.memref_slice %arg10[%dma_wait3A, %dma_wait3A_31] : memref<94x128xi32, #tpu.memory_space<vmem>> -> memref<63x128xi32, #tpu.memory_space<vmem>>
        %dma_wait3A_33 = arith.constant 0 : i32
        %dma_wait3A_34 = arith.constant 0 : i32
        %dma_wait3A_35 = tpu.memref_slice %arg6[%arg1, %dma_wait3A_33, %dma_wait3A_34] : memref<16x63x128xi32, #tpu.memory_space<hbm>> -> memref<1x63x128xi32, #tpu.memory_space<hbm>>
        %dma_wait3A_36 = tpu.memref_squeeze %dma_wait3A_35 : memref<1x63x128xi32, #tpu.memory_space<hbm>> -> memref<63x128xi32, #tpu.memory_space<hbm>>
        %dma_wait3A_37 = arith.constant 0 : i32
        %dma_wait3A_38 = arith.constant 0 : i32
        %dma_wait3A_39 = tpu.memref_slice %arg10[%dma_wait3A_37, %dma_wait3A_38] : memref<94x128xi32, #tpu.memory_space<vmem>> -> memref<63x128xi32, #tpu.memory_space<vmem>>
        %dma_wait3A_40 = arith.constant 0 : i32
        %dma_wait3A_41 = arith.constant 0 : i32
        %dma_wait3A_42 = tpu.memref_slice %arg6[%arg1, %dma_wait3A_40, %dma_wait3A_41] : memref<16x63x128xi32, #tpu.memory_space<hbm>> -> memref<1x63x128xi32, #tpu.memory_space<hbm>>
        %dma_wait3A_43 = tpu.memref_squeeze %dma_wait3A_42 : memref<1x63x128xi32, #tpu.memory_space<hbm>> -> memref<63x128xi32, #tpu.memory_space<hbm>>
        tpu.wait_dma2 semaphore(%run_scoped3A : memref<!tpu.dma_semaphore, #tpu.memory_space<semaphore_mem>>) src(%dma_wait3A_43 : memref<63x128xi32, #tpu.memory_space<hbm>>) dst(%dma_wait3A_39 : memref<63x128xi32, #tpu.memory_space<vmem>>)
        tpu.yield
      }) : () -> ()
      %barrier3A_12 = arith.constant 0 : index
      tpu.barrier barrier_id(%barrier3A_12)
      %scan3A = arith.constant 0 : i32
      %scan3A_13 = arith.constant 0 : i32
      %scan3A_14 = arith.constant 63 : i32
      %scan3A_15 = arith.addi %scan3A_13, %scan3A_14 : i32
      %scan3A_16 = arith.constant 1 : i32
      scf.for %scan3A_18 = %scan3A_13 to %scan3A_15 step %scan3A_16  : i32 {
        %dma_start3A = arith.constant 0 : i32
        %dma_start3A_19 = tpu.memref_slice %arg9[%scan3A_18, %dma_start3A] : memref<94x128xi32, #tpu.memory_space<vmem>> -> memref<1x128xi32, #tpu.memory_space<vmem>>
        %dma_start3A_20 = tpu.memref_squeeze %dma_start3A_19 : memref<1x128xi32, #tpu.memory_space<vmem>> -> memref<128xi32, #tpu.memory_space<vmem>>
        %dma_start3A_21 = arith.constant 0 : i32
        %dma_start3A_22 = arith.constant 0 : i32
        %dma_start3A_23 = tpu.memref_slice %arg2[%dma_start3A_21, %dma_start3A_22] : memref<10000x128xf32, #tpu.memory_space<hbm>> -> memref<10000x128xf32, #tpu.memory_space<hbm>>
        tpu.enqueue_indirect_dma source(%dma_start3A_23 : memref<10000x128xf32, #tpu.memory_space<hbm>>) target(%arg11 : memref<128x128xf32, #tpu.memory_space<vmem>>) offsets(%dma_start3A_20 : memref<128xi32, #tpu.memory_space<vmem>>) semaphore(%arg13 : memref<!tpu.dma_semaphore, #tpu.memory_space<semaphore_mem>>)
        %dma_wait3A = arith.constant 0 : i32
        %dma_wait3A_24 = tpu.memref_slice %arg9[%scan3A_18, %dma_wait3A] : memref<94x128xi32, #tpu.memory_space<vmem>> -> memref<1x128xi32, #tpu.memory_space<vmem>>
        %dma_wait3A_25 = tpu.memref_squeeze %dma_wait3A_24 : memref<1x128xi32, #tpu.memory_space<vmem>> -> memref<128xi32, #tpu.memory_space<vmem>>
        %dma_wait3A_26 = arith.constant 0 : i32
        %dma_wait3A_27 = arith.constant 0 : i32
        %dma_wait3A_28 = tpu.memref_slice %arg2[%dma_wait3A_26, %dma_wait3A_27] : memref<10000x128xf32, #tpu.memory_space<hbm>> -> memref<10000x128xf32, #tpu.memory_space<hbm>>
        tpu.wait_indirect_dma semaphore(%arg13 : memref<!tpu.dma_semaphore, #tpu.memory_space<semaphore_mem>>) src(%dma_wait3A_28 : memref<10000x128xf32, #tpu.memory_space<hbm>>) dst(%arg11 : memref<128x128xf32, #tpu.memory_space<vmem>>)
        "tpu.region"() ({
          %run_scoped3A = tpu.sem_alloc : memref<!tpu.dma_semaphore, #tpu.memory_space<semaphore_mem>>
          %dma_start3A_29 = arith.constant 0 : i32
          %dma_start3A_30 = tpu.memref_slice %arg10[%scan3A_18, %dma_start3A_29] : memref<94x128xi32, #tpu.memory_space<vmem>> -> memref<1x128xi32, #tpu.memory_space<vmem>>
          %dma_start3A_31 = tpu.memref_squeeze %dma_start3A_30 : memref<1x128xi32, #tpu.memory_space<vmem>> -> memref<128xi32, #tpu.memory_space<vmem>>
          %dma_start3A_32 = arith.constant 0 : i32
          %dma_start3A_33 = arith.constant 0 : i32
          %dma_start3A_34 = tpu.memref_slice %arg12[%dma_start3A_32, %dma_start3A_33] : memref<10240x128xf32, #tpu.memory_space<vmem_shared>> -> memref<10240x128xf32, #tpu.memory_space<vmem_shared>>
          tpu.enqueue_indirect_dma source(%arg11 : memref<128x128xf32, #tpu.memory_space<vmem>>) target(%dma_start3A_34 : memref<10240x128xf32, #tpu.memory_space<vmem_shared>>) offsets(%dma_start3A_31 : memref<128xi32, #tpu.memory_space<vmem>>) semaphore(%run_scoped3A : memref<!tpu.dma_semaphore, #tpu.memory_space<semaphore_mem>>) {add = true}
          %dma_wait3A_35 = arith.constant 0 : i32
          %dma_wait3A_36 = tpu.memref_slice %arg10[%scan3A_18, %dma_wait3A_35] : memref<94x128xi32, #tpu.memory_space<vmem>> -> memref<1x128xi32, #tpu.memory_space<vmem>>
          %dma_wait3A_37 = tpu.memref_squeeze %dma_wait3A_36 : memref<1x128xi32, #tpu.memory_space<vmem>> -> memref<128xi32, #tpu.memory_space<vmem>>
          %dma_wait3A_38 = arith.constant 0 : i32
          %dma_wait3A_39 = arith.constant 0 : i32
          %dma_wait3A_40 = tpu.memref_slice %arg12[%dma_wait3A_38, %dma_wait3A_39] : memref<10240x128xf32, #tpu.memory_space<vmem_shared>> -> memref<10240x128xf32, #tpu.memory_space<vmem_shared>>
          tpu.wait_indirect_dma semaphore(%run_scoped3A : memref<!tpu.dma_semaphore, #tpu.memory_space<semaphore_mem>>) src(%arg11 : memref<128x128xf32, #tpu.memory_space<vmem>>) dst(%dma_wait3A_40 : memref<10240x128xf32, #tpu.memory_space<vmem_shared>>)
          tpu.yield
        }) : () -> ()
      }
      %scan3A_17 = arith.constant 63 : i32
    } else {
    }
    %barrier3A = arith.constant 0 : index
    tpu.barrier barrier_id(%barrier3A)
    %mul3A_8 = arith.constant 640 : i32
    %mul3A_9 = arith.muli %arg1, %mul3A_8 : i32
    %mul3A_10 = arith.constant 640 : i32
    %mul3A_11 = arith.muli %arg1, %mul3A_10 : i32
    "tpu.region"() ({
      %run_scoped3A = tpu.sem_alloc : memref<!tpu.dma_semaphore, #tpu.memory_space<semaphore_mem>>
      %dma_start3A = arith.constant 0 : i32
      %dma_start3A_12 = tpu.memref_slice %arg8[%arg0, %mul3A_11, %dma_start3A] : memref<2x10240x128xf32, #tpu.memory_space<hbm>> -> memref<1x640x128xf32, #tpu.memory_space<hbm>>
      %dma_start3A_13 = tpu.memref_squeeze %dma_start3A_12 : memref<1x640x128xf32, #tpu.memory_space<hbm>> -> memref<640x128xf32, #tpu.memory_space<hbm>>
      %dma_start3A_14 = arith.constant 0 : i32
      %dma_start3A_15 = tpu.memref_slice %arg12[%mul3A_9, %dma_start3A_14] : memref<10240x128xf32, #tpu.memory_space<vmem_shared>> -> memref<640x128xf32, #tpu.memory_space<vmem_shared>>
      tpu.enqueue_dma source(%dma_start3A_15 : memref<640x128xf32, #tpu.memory_space<vmem_shared>>) target(%dma_start3A_13 : memref<640x128xf32, #tpu.memory_space<hbm>>) target_semaphore(%run_scoped3A : memref<!tpu.dma_semaphore, #tpu.memory_space<semaphore_mem>>)
      %dma_wait3A = arith.constant 0 : i32
      %dma_wait3A_16 = tpu.memref_slice %arg8[%arg0, %mul3A_11, %dma_wait3A] : memref<2x10240x128xf32, #tpu.memory_space<hbm>> -> memref<1x640x128xf32, #tpu.memory_space<hbm>>
      %dma_wait3A_17 = tpu.memref_squeeze %dma_wait3A_16 : memref<1x640x128xf32, #tpu.memory_space<hbm>> -> memref<640x128xf32, #tpu.memory_space<hbm>>
      %dma_wait3A_18 = arith.constant 0 : i32
      %dma_wait3A_19 = tpu.memref_slice %arg12[%mul3A_9, %dma_wait3A_18] : memref<10240x128xf32, #tpu.memory_space<vmem_shared>> -> memref<640x128xf32, #tpu.memory_space<vmem_shared>>
      tpu.wait_dma2 semaphore(%run_scoped3A : memref<!tpu.dma_semaphore, #tpu.memory_space<semaphore_mem>>) src(%dma_wait3A_19 : memref<640x128xf32, #tpu.memory_space<vmem_shared>>) dst(%dma_wait3A_17 : memref<640x128xf32, #tpu.memory_space<hbm>>)
      tpu.yield
    }) : () -> ()
    return
  }
}

module attributes {stable_mosaic.version = 14 : i64} {
  func.func @body(%arg0: i32, %arg1: memref<1000x128xf32, #tpu.memory_space<vmem>>, %arg2: memref<128x128xf32, #tpu.memory_space<vmem>>, %arg3: memref<1x128xf32, #tpu.memory_space<vmem>>, %arg4: memref<2x1000x1xf32, #tpu.memory_space<vmem>>, %arg5: memref<1000x128xf32, #tpu.memory_space<vmem>>, %arg6: memref<1000x1xf32, #tpu.memory_space<vmem>>) attributes {dimension_semantics = [#tpu.dimension_semantics<arbitrary>], iteration_bounds = array<i64: 10>, scalar_prefetch = 0 : i64, scratch_operands = 0 : i64, tpu.core_type = #tpu.core_type<tc>, window_params = [{transform_indices = @transform_0, window_bounds = array<i64: 1000, 128>}, {pipeline_mode = #tpu.pipeline_mode<synchronous>, transform_indices = @transform_1, window_bounds = array<i64: 128, 128>}, {pipeline_mode = #tpu.pipeline_mode<synchronous>, transform_indices = @transform_2, window_bounds = array<i64: 1, 128>}, {transform_indices = @transform_3, window_bounds = array<i64: 2, 1000, 1>}, {transform_indices = @transform_4, window_bounds = array<i64: 1000, 128>}, {transform_indices = @transform_5, window_bounds = array<i64: 1000, 1>}]} {
    %get3A = arith.constant 0 : index
    %get3A_0 = arith.constant 0 : index
    %get3A_1 = arith.constant 0 : index
    %get3A_2 = vector.load %arg4[%get3A, %get3A_0, %get3A_1] : memref<2x1000x1xf32, #tpu.memory_space<vmem>>, vector<1x1000x1xf32>
    %get3A_3 = vector.shape_cast %get3A_2 : vector<1x1000x1xf32> to vector<1000x1xf32>
    %get3A_4 = arith.constant 1 : index
    %get3A_5 = arith.constant 0 : index
    %get3A_6 = arith.constant 0 : index
    %get3A_7 = vector.load %arg4[%get3A_4, %get3A_5, %get3A_6] : memref<2x1000x1xf32, #tpu.memory_space<vmem>>, vector<1x1000x1xf32>
    %get3A_8 = vector.shape_cast %get3A_7 : vector<1x1000x1xf32> to vector<1000x1xf32>
    %add3A = arith.addf %get3A_3, %get3A_8 : vector<1000x1xf32>
    %max3A = arith.constant 1.000000e+00 : f32
    %max3A_9 = vector.broadcast %max3A : f32 to vector<1000x1xf32>
    %max3A_10 = arith.maximumf %add3A, %max3A_9 : vector<1000x1xf32>
    %rsqrt3A = math.rsqrt %max3A_10 : vector<1000x1xf32>
    %get3A_11 = arith.constant 0 : index
    %get3A_12 = arith.constant 0 : index
    %get3A_13 = vector.load %arg1[%get3A_11, %get3A_12] : memref<1000x128xf32, #tpu.memory_space<vmem>>, vector<1000x128xf32>
    %get3A_14 = arith.constant 0 : index
    %get3A_15 = arith.constant 0 : index
    %get3A_16 = vector.load %arg2[%get3A_14, %get3A_15] : memref<128x128xf32, #tpu.memory_space<vmem>>, vector<128x128xf32>
    %dot_general3A = arith.constant dense<0.000000e+00> : vector<1000x128xf32>
    %dot_general3A_17 = tpu.matmul %get3A_13, %get3A_16, %dot_general3A {dimension_numbers = #tpu.dot_dimension_numbers<[1], [0], [0], [1], [0, 0, 1, 1], [], []>, transpose_lhs_hint = false} : vector<1000x128xf32>, vector<128x128xf32>, vector<1000x128xf32> -> vector<1000x128xf32>
    %get3A_18 = arith.constant 0 : index
    %get3A_19 = arith.constant 0 : index
    %get3A_20 = vector.load %arg3[%get3A_18, %get3A_19] : memref<1x128xf32, #tpu.memory_space<vmem>>, vector<1x128xf32>
    %add3A_21 = vector.broadcast %get3A_20 : vector<1x128xf32> to vector<1000x128xf32>
    %add3A_22 = arith.addf %dot_general3A_17, %add3A_21 : vector<1000x128xf32>
    %mul3A = vector.broadcast %rsqrt3A : vector<1000x1xf32> to vector<1000x128xf32>
    %mul3A_23 = arith.mulf %add3A_22, %mul3A : vector<1000x128xf32>
    %swap3A = arith.constant 0 : index
    %swap3A_24 = arith.constant 0 : index
    %swap3A_25 = vector.load %arg5[%swap3A, %swap3A_24] : memref<1000x128xf32, #tpu.memory_space<vmem>>, vector<1000x128xf32>
    tpu.vector_store %arg5[%swap3A, %swap3A_24], %mul3A_23 {strides = array<i32>} : memref<1000x128xf32, #tpu.memory_space<vmem>>, vector<1000x128xf32>,
    %swap3A_26 = arith.constant 0 : index
    %swap3A_27 = arith.constant 0 : index
    %swap3A_28 = vector.load %arg6[%swap3A_26, %swap3A_27] : memref<1000x1xf32, #tpu.memory_space<vmem>>, vector<1000x1xf32>
    tpu.vector_store %arg6[%swap3A_26, %swap3A_27], %rsqrt3A {strides = array<i32>} : memref<1000x1xf32, #tpu.memory_space<vmem>>, vector<1000x1xf32>,
    return
  }
  func.func @transform_0(%arg0: i32) -> (i32, i32) {
    %c0_i32 = arith.constant 0 : i32
    %c0_i32_0 = arith.constant 0 : i32
    return %arg0, %c0_i32 : i32, i32
  }
  func.func @transform_1(%arg0: i32) -> (i32, i32) {
    %c0_i32 = arith.constant 0 : i32
    %c0_i32_0 = arith.constant 0 : i32
    %c0_i32_1 = arith.constant 0 : i32
    return %c0_i32, %c0_i32_0 : i32, i32
  }
  func.func @transform_2(%arg0: i32) -> (i32, i32) {
    %c0_i32 = arith.constant 0 : i32
    %c0_i32_0 = arith.constant 0 : i32
    %c0_i32_1 = arith.constant 0 : i32
    return %c0_i32, %c0_i32_0 : i32, i32
  }
  func.func @transform_3(%arg0: i32) -> (i32, i32, i32) {
    %c0_i32 = arith.constant 0 : i32
    %c0_i32_0 = arith.constant 0 : i32
    %c0_i32_1 = arith.constant 0 : i32
    return %c0_i32, %arg0, %c0_i32_0 : i32, i32, i32
  }
  func.func @transform_4(%arg0: i32) -> (i32, i32) {
    %c0_i32 = arith.constant 0 : i32
    %c0_i32_0 = arith.constant 0 : i32
    return %arg0, %c0_i32 : i32, i32
  }
  func.func @transform_5(%arg0: i32) -> (i32, i32) {
    %c0_i32 = arith.constant 0 : i32
    %c0_i32_0 = arith.constant 0 : i32
    return %arg0, %c0_i32 : i32, i32
  }
}

module attributes {stable_mosaic.version = 14 : i64} {
  func.func @body(%arg0: i32, %arg1: memref<2x1000x128xf32, #tpu.memory_space<vmem>>, %arg2: memref<1000x1xf32, #tpu.memory_space<vmem>>, %arg3: memref<128x128xf32, #tpu.memory_space<vmem>>, %arg4: memref<1x128xf32, #tpu.memory_space<vmem>>, %arg5: memref<1000x128xf32, #tpu.memory_space<vmem>>) attributes {dimension_semantics = [#tpu.dimension_semantics<arbitrary>], iteration_bounds = array<i64: 10>, scalar_prefetch = 0 : i64, scratch_operands = 0 : i64, tpu.core_type = #tpu.core_type<tc>, window_params = [{transform_indices = @transform_0, window_bounds = array<i64: 2, 1000, 128>}, {transform_indices = @transform_1, window_bounds = array<i64: 1000, 1>}, {pipeline_mode = #tpu.pipeline_mode<synchronous>, transform_indices = @transform_2, window_bounds = array<i64: 128, 128>}, {pipeline_mode = #tpu.pipeline_mode<synchronous>, transform_indices = @transform_3, window_bounds = array<i64: 1, 128>}, {transform_indices = @transform_4, window_bounds = array<i64: 1000, 128>}]} {
    %get3A = arith.constant 0 : index
    %get3A_0 = arith.constant 0 : index
    %get3A_1 = arith.constant 0 : index
    %get3A_2 = vector.load %arg1[%get3A, %get3A_0, %get3A_1] : memref<2x1000x128xf32, #tpu.memory_space<vmem>>, vector<1x1000x128xf32>
    %get3A_3 = vector.shape_cast %get3A_2 : vector<1x1000x128xf32> to vector<1000x128xf32>
    %get3A_4 = arith.constant 1 : index
    %get3A_5 = arith.constant 0 : index
    %get3A_6 = arith.constant 0 : index
    %get3A_7 = vector.load %arg1[%get3A_4, %get3A_5, %get3A_6] : memref<2x1000x128xf32, #tpu.memory_space<vmem>>, vector<1x1000x128xf32>
    %get3A_8 = vector.shape_cast %get3A_7 : vector<1x1000x128xf32> to vector<1000x128xf32>
    %add3A = arith.addf %get3A_3, %get3A_8 : vector<1000x128xf32>
    %get3A_9 = arith.constant 0 : index
    %get3A_10 = arith.constant 0 : index
    %get3A_11 = vector.load %arg2[%get3A_9, %get3A_10] : memref<1000x1xf32, #tpu.memory_space<vmem>>, vector<1000x1xf32>
    %mul3A = vector.broadcast %get3A_11 : vector<1000x1xf32> to vector<1000x128xf32>
    %mul3A_12 = arith.mulf %add3A, %mul3A : vector<1000x128xf32>
    %max3A = arith.constant 0.000000e+00 : f32
    %max3A_13 = vector.broadcast %max3A : f32 to vector<1000x128xf32>
    %max3A_14 = arith.maximumf %mul3A_12, %max3A_13 : vector<1000x128xf32>
    %get3A_15 = arith.constant 0 : index
    %get3A_16 = arith.constant 0 : index
    %get3A_17 = vector.load %arg3[%get3A_15, %get3A_16] : memref<128x128xf32, #tpu.memory_space<vmem>>, vector<128x128xf32>
    %dot_general3A = arith.constant dense<0.000000e+00> : vector<1000x128xf32>
    %dot_general3A_18 = tpu.matmul %max3A_14, %get3A_17, %dot_general3A {dimension_numbers = #tpu.dot_dimension_numbers<[1], [0], [0], [1], [0, 0, 1, 1], [], []>, transpose_lhs_hint = false} : vector<1000x128xf32>, vector<128x128xf32>, vector<1000x128xf32> -> vector<1000x128xf32>
    %get3A_19 = arith.constant 0 : index
    %get3A_20 = arith.constant 0 : index
    %get3A_21 = vector.load %arg4[%get3A_19, %get3A_20] : memref<1x128xf32, #tpu.memory_space<vmem>>, vector<1x128xf32>
    %add3A_22 = vector.broadcast %get3A_21 : vector<1x128xf32> to vector<1000x128xf32>
    %add3A_23 = arith.addf %dot_general3A_18, %add3A_22 : vector<1000x128xf32>
    %get3A_24 = arith.constant 0 : index
    %get3A_25 = arith.constant 0 : index
    %get3A_26 = vector.load %arg2[%get3A_24, %get3A_25] : memref<1000x1xf32, #tpu.memory_space<vmem>>, vector<1000x1xf32>
    %mul3A_27 = vector.broadcast %get3A_26 : vector<1000x1xf32> to vector<1000x128xf32>
    %mul3A_28 = arith.mulf %add3A_23, %mul3A_27 : vector<1000x128xf32>
    %swap3A = arith.constant 0 : index
    %swap3A_29 = arith.constant 0 : index
    %swap3A_30 = vector.load %arg5[%swap3A, %swap3A_29] : memref<1000x128xf32, #tpu.memory_space<vmem>>, vector<1000x128xf32>
    tpu.vector_store %arg5[%swap3A, %swap3A_29], %mul3A_28 {strides = array<i32>} : memref<1000x128xf32, #tpu.memory_space<vmem>>, vector<1000x128xf32>,
    return
  }
  func.func @transform_0(%arg0: i32) -> (i32, i32, i32) {
    %c0_i32 = arith.constant 0 : i32
    %c0_i32_0 = arith.constant 0 : i32
    %c0_i32_1 = arith.constant 0 : i32
    return %c0_i32, %arg0, %c0_i32_0 : i32, i32, i32
  }
  func.func @transform_1(%arg0: i32) -> (i32, i32) {
    %c0_i32 = arith.constant 0 : i32
    %c0_i32_0 = arith.constant 0 : i32
    return %arg0, %c0_i32 : i32, i32
  }
  func.func @transform_2(%arg0: i32) -> (i32, i32) {
    %c0_i32 = arith.constant 0 : i32
    %c0_i32_0 = arith.constant 0 : i32
    %c0_i32_1 = arith.constant 0 : i32
    return %c0_i32, %c0_i32_0 : i32, i32
  }
  func.func @transform_3(%arg0: i32) -> (i32, i32) {
    %c0_i32 = arith.constant 0 : i32
    %c0_i32_0 = arith.constant 0 : i32
    %c0_i32_1 = arith.constant 0 : i32
    return %c0_i32, %c0_i32_0 : i32, i32
  }
  func.func @transform_4(%arg0: i32) -> (i32, i32) {
    %c0_i32 = arith.constant 0 : i32
    %c0_i32_0 = arith.constant 0 : i32
    return %arg0, %c0_i32 : i32, i32
  }
}

module attributes {stable_mosaic.version = 14 : i64} {
  func.func @body(%arg0: i32, %arg1: memref<2x1000x128xf32, #tpu.memory_space<vmem>>, %arg2: memref<1000x1xf32, #tpu.memory_space<vmem>>, %arg3: memref<1000x64xf32, #tpu.memory_space<vmem>>) attributes {dimension_semantics = [#tpu.dimension_semantics<arbitrary>], iteration_bounds = array<i64: 10>, scalar_prefetch = 0 : i64, scratch_operands = 0 : i64, tpu.core_type = #tpu.core_type<tc>, window_params = [{transform_indices = @transform_0, window_bounds = array<i64: 2, 1000, 128>}, {transform_indices = @transform_1, window_bounds = array<i64: 1000, 1>}, {transform_indices = @transform_2, window_bounds = array<i64: 1000, 64>}]} {
    %get3A = arith.constant 0 : index
    %get3A_0 = arith.constant 0 : index
    %get3A_1 = arith.constant 0 : index
    %get3A_2 = vector.load %arg1[%get3A, %get3A_0, %get3A_1] : memref<2x1000x128xf32, #tpu.memory_space<vmem>>, vector<1x1000x128xf32>
    %get3A_3 = vector.shape_cast %get3A_2 : vector<1x1000x128xf32> to vector<1000x128xf32>
    %get3A_4 = arith.constant 1 : index
    %get3A_5 = arith.constant 0 : index
    %get3A_6 = arith.constant 0 : index
    %get3A_7 = vector.load %arg1[%get3A_4, %get3A_5, %get3A_6] : memref<2x1000x128xf32, #tpu.memory_space<vmem>>, vector<1x1000x128xf32>
    %get3A_8 = vector.shape_cast %get3A_7 : vector<1x1000x128xf32> to vector<1000x128xf32>
    %add3A = arith.addf %get3A_3, %get3A_8 : vector<1000x128xf32>
    %get3A_9 = arith.constant 0 : index
    %get3A_10 = arith.constant 0 : index
    %get3A_11 = vector.load %arg2[%get3A_9, %get3A_10] : memref<1000x1xf32, #tpu.memory_space<vmem>>, vector<1000x1xf32>
    %mul3A = vector.broadcast %get3A_11 : vector<1000x1xf32> to vector<1000x128xf32>
    %mul3A_12 = arith.mulf %add3A, %mul3A : vector<1000x128xf32>
    %slice3A = vector.extract_strided_slice %mul3A_12 {offsets = [0, 0], sizes = [1000, 64], strides = [1, 1]} : vector<1000x128xf32> to vector<1000x64xf32>
    %reduce_max3A = arith.constant dense<0xFF800000> : vector<1000xf32>
    %reduce_max3A_13 = vector.multi_reduction <maximumf>, %slice3A, %reduce_max3A [1] : vector<1000x64xf32> to vector<1000xf32>
    %broadcast_in_dim3A = vector.shape_cast %reduce_max3A_13 : vector<1000xf32> to vector<1000x1xf32>
    %sub3A = vector.broadcast %broadcast_in_dim3A : vector<1000x1xf32> to vector<1000x64xf32>
    %sub3A_14 = arith.subf %slice3A, %sub3A : vector<1000x64xf32>
    %exp3A = math.exp %sub3A_14 : vector<1000x64xf32>
    %reduce_sum3A = arith.constant dense<0.000000e+00> : vector<1000xf32>
    %reduce_sum3A_15 = vector.multi_reduction <add>, %exp3A, %reduce_sum3A [1] : vector<1000x64xf32> to vector<1000xf32>
    %broadcast_in_dim3A_16 = vector.shape_cast %reduce_sum3A_15 : vector<1000xf32> to vector<1000x1xf32>
    %log3A = math.log %broadcast_in_dim3A_16 : vector<1000x1xf32>
    %sub3A_17 = vector.broadcast %broadcast_in_dim3A : vector<1000x1xf32> to vector<1000x64xf32>
    %sub3A_18 = arith.subf %slice3A, %sub3A_17 : vector<1000x64xf32>
    %sub3A_19 = vector.broadcast %log3A : vector<1000x1xf32> to vector<1000x64xf32>
    %sub3A_20 = arith.subf %sub3A_18, %sub3A_19 : vector<1000x64xf32>
    %swap3A = arith.constant 0 : index
    %swap3A_21 = arith.constant 0 : index
    %swap3A_22 = vector.load %arg3[%swap3A, %swap3A_21] : memref<1000x64xf32, #tpu.memory_space<vmem>>, vector<1000x64xf32>
    tpu.vector_store %arg3[%swap3A, %swap3A_21], %sub3A_20 {strides = array<i32>} : memref<1000x64xf32, #tpu.memory_space<vmem>>, vector<1000x64xf32>,
    return
  }
  func.func @transform_0(%arg0: i32) -> (i32, i32, i32) {
    %c0_i32 = arith.constant 0 : i32
    %c0_i32_0 = arith.constant 0 : i32
    %c0_i32_1 = arith.constant 0 : i32
    return %c0_i32, %arg0, %c0_i32_0 : i32, i32, i32
  }
  func.func @transform_1(%arg0: i32) -> (i32, i32) {
    %c0_i32 = arith.constant 0 : i32
    %c0_i32_0 = arith.constant 0 : i32
    return %arg0, %c0_i32 : i32, i32
  }
  func.func @transform_2(%arg0: i32) -> (i32, i32) {
    %c0_i32 = arith.constant 0 : i32
    %c0_i32_0 = arith.constant 0 : i32
    return %arg0, %c0_i32 : i32, i32
  }
}

</mosaic_0001>

<sc_bundles>
// kernel: kernel.11.cloned.1.call-start
scs
__scs_entry_jumppad:
0x0: {  	(pc) =	sbr.rel $0x88, $3  }
0x1: {  	(tag) =	ssettag $0x0;
	lr =	simm.s32 $0x1  }
0x2: {  	[smem:$0x3F9B] =	sst lr;
	_ =	strace $0xD0000000  }
0x3: {  	_ = 	snop  }
0x4: {  	_ = 	snop  }
0x5: {  	_ = 	snop  }
0x6: {  	_ = 	snop  }
0x7: {  	_ = 	snop  }
__scs_overlays_trampoline_lowered:
0x8: {  	[smem:$0x3FAA] =	sst s0  }
0x9: {  	[smem:$0x3FAB] =	sst s1  }
0xa: {  	[smem:$0x3FAC] =	sst s2  }
0xb: {  	[smem:$0x3FAD] =	sst s3  }
0xc: {  	[smem:$0x3FAE] =	sst s4  }
0xd: {  	[smem:$0x3FAF] =	sst s5  }
0xe: {  	[smem:$0x3FB0] =	sst s6  }
0xf: {  	[smem:$0x3FB1] =	sst s7  }
0x10: {  	[smem:$0x3FB2] =	sst s8  }
0x11: {  	[smem:$0x3FB3] =	sst s9;
	s0 =	simm.s32 @!p0 $0x0  }
0x12: {  	s1 =	sld [smem:$0x3F99];
	s0 =	simm.s32 @p0 $0x1  }
0x13: {  	[smem:$0x3FB4] =	sst s0;
	s0 =	simm.s32 @!p1 $0x0  }
0x14: {  	s2 =	sld [smem:$0x3F98];
	s0 =	simm.s32 @p1 $0x1  }
0x15: {  	[smem:$0x3FB5] =	sst s0;
	s0 =	simm.s32 @!p2 $0x0  }
0x16: {  	s3 =	sld [smem:$0x3FDB];
	s0 =	simm.s32 @p2 $0x1  }
0x17: {  	s4 =	simm.s32 $0x1BF5;
	[smem:$0x3FB7] =	sst s0  }
0x18: {  	s0 =	sld [smem:$0x3F9A];
	_ =	swait.ge [sflag:s4], $0x0  }
0x19: {  	s7 =	sld [smem:$0x3F9B]  }
0x1a: {  	s8 =	sadd.s32 $0xFFFFE003, lr  }
0x1b: {  	s9 =	sadd.s32 $0xFFFFFEF7, lr;
	s5 =	simm.s32 $0xFFFFFFFF;
	p2 =	slt.u32 s8, $0xFFFFF086  }
0x1c: {  	p1 =	slt.u32 s9, $0xF7A;
	s5 =	simm.s32 @!p2 $0x0  }
0x1d: {  	s5 =	simm.s32 @p1 $0x1;
	p0 =	seq.s32 s7, s2  }
0x1e: {  	s7 =	smul.u32 @!p0 $0xF7A, s2;
	p2 =	seq.s32 @!p0 s5, $0x0  }
0x1f: {  	s9 =	smul.u32 $0xF7A, s1;
	s8 =	simm.s32 @!p0 $0x1BF5;
	p2 =	por !p2, p0  }
0x20: {  	[sflag:s8] =	ssyncset.s32 @!p0 $0xFFFFF086;
	s6 =	sadd.s32 @!p0 s3, s7;
	s7 =	simm.s32 @!p0 $0x108  }
0x21: {  	s3 =	sadd.s32 s3, s9;
	s6 =	sadd.s32 @!p0 $0x88, s6;
	s7 =	simm.s32 @p2 $0x1082  }
0x22: {  	[simem:s7], [sflag:s8] =	dma.local @!p0 [hbm:s6], $0xF7A  }
0x23: {  	s9 =	sor.u32 $0xD0000000, s2;
	s6 =	simm.s32 $0x108;
	_ =	swait.ge @!p0 [sflag:s8], $0x0  }
0x24: {  	s3 =	sadd.s32 $0x88, s3;
	s6 =	simm.s32 @!p1 $0x1082;
	[sflag:s4] =	ssyncset.s32 $0xFFFFF086  }
0x25: {  	[simem:s6], [sflag:s4] =	dma.local [hbm:s3], $0xF7A  }
0x26: {  	[smem:$0x3F9B] =	sst s1;
	(tag) =	ssettag s2;
	_ =	strace s9  }
0x27: {  	s1 =	sld [smem:$0x3FAB]  }
0x28: {  	s2 =	sld [smem:$0x3FAC]  }
0x29: {  	s4 =	sld [smem:$0x3FAE]  }
0x2a: {  	p0 =	seq.s32 s5, $0x0;
	s5 =	sld [smem:$0x3FAF]  }
0x2b: {  	s6 =	sld [smem:$0x3FB0]  }
0x2c: {  	s7 =	sld [smem:$0x3FB1]  }
0x2d: {  	s3 =	simm.s32 $0x108;
	s8 =	sld [smem:$0x3FB2]  }
0x2e: {  	s3 =	simm.s32 @!p0 $0x1082;
	s9 =	sld [smem:$0x3FB3]  }
0x2f: {  	lr =	sadd.s32 s0, s3;
	s0 =	sld [smem:$0x3FAA]  }
0x30: {  	s3 =	sld [smem:$0x3FAD]  }
0x31: {  	[smem:$0x3FB6] =	sst s10  }
0x32: {  	s10 =	sld [smem:$0x3FB4];
	_ =	sdelay $0x3  }
0x33: {  	p0 =	seq.s32 s10, $0x1;
	s10 =	sld [smem:$0x3FB6];
	_ =	sdelay $0x3  }
0x34: {  	[smem:$0x3FB6] =	sst s10  }
0x35: {  	s10 =	sld [smem:$0x3FB5];
	_ =	sdelay $0x3  }
0x36: {  	p1 =	seq.s32 s10, $0x1;
	s10 =	sld [smem:$0x3FB6];
	_ =	sdelay $0x3  }
0x37: {  	[smem:$0x3FB6] =	sst s10  }
0x38: {  	s10 =	sld [smem:$0x3FB7]  }
0x39: {  	_ = 	snop;
	(pc) =	sbr.ind lr, $3  }
0x3a: {  	_ = 	snop  }
0x3b: {  	_ = 	snop  }
0x3c: {  	p2 =	seq.s32 s10, $0x1;
	s10 =	sld [smem:$0x3FB6]  }
0x3d: {  	_ =	shalt  }
0x3e: {  	_ =	shalt  }
0x3f: {  	_ =	shalt  }
0x40: {  	_ =	shalt  }
0x41: {  	_ =	shalt  }
0x42: {  	_ =	shalt  }
0x43: {  	_ =	shalt  }
0x44: {  	_ =	shalt  }
0x45: {  	_ =	shalt  }
0x46: {  	_ =	shalt  }
0x47: {  	_ =	shalt  }
0x48: {  	_ =	shalt  }
0x49: {  	_ =	shalt  }
0x4a: {  	_ =	shalt  }
0x4b: {  	_ =	shalt  }
0x4c: {  	_ =	shalt  }
0x4d: {  	_ =	shalt  }
0x4e: {  	_ =	shalt  }
0x4f: {  	_ =	shalt  }
0x50: {  	_ =	shalt  }
0x51: {  	_ =	shalt  }
0x52: {  	_ =	shalt  }
0x53: {  	_ =	shalt  }
0x54: {  	_ =	shalt  }
0x55: {  	_ =	shalt  }
0x56: {  	_ =	shalt  }
0x57: {  	_ =	shalt  }
0x58: {  	_ =	shalt  }
0x59: {  	_ =	shalt  }
0x5a: {  	_ =	shalt  }
0x5b: {  	_ =	shalt  }
0x5c: {  	_ =	shalt  }
0x5d: {  	_ =	shalt  }
0x5e: {  	_ =	shalt  }
0x5f: {  	_ =	shalt  }
0x60: {  	_ =	shalt  }
0x61: {  	_ =	shalt  }
0x62: {  	_ =	shalt  }
0x63: {  	_ =	shalt  }
0x64: {  	_ =	shalt  }
0x65: {  	_ =	shalt  }
0x66: {  	_ =	shalt  }
0x67: {  	_ =	shalt  }
0x68: {  	_ =	shalt  }
0x69: {  	_ =	shalt  }
0x6a: {  	_ =	shalt  }
0x6b: {  	_ =	shalt  }
0x6c: {  	_ =	shalt  }
0x6d: {  	_ =	shalt  }
0x6e: {  	_ =	shalt  }
0x6f: {  	_ =	shalt  }
0x70: {  	_ =	shalt  }
0x71: {  	_ =	shalt  }
0x72: {  	_ =	shalt  }
0x73: {  	_ =	shalt  }
0x74: {  	_ =	shalt  }
0x75: {  	_ =	shalt  }
0x76: {  	_ =	shalt  }
0x77: {  	_ =	shalt  }
0x78: {  	_ =	shalt  }
0x79: {  	_ =	shalt  }
0x7a: {  	_ =	shalt  }
0x7b: {  	_ =	shalt  }
0x7c: {  	_ =	shalt  }
0x7d: {  	_ =	shalt  }
0x7e: {  	_ =	shalt  }
0x7f: {  	_ =	shalt  }
0x80: {  	_ =	shalt  }
0x81: {  	_ =	shalt  }
0x82: {  	_ =	shalt  }
0x83: {  	_ =	shalt  }
0x84: {  	_ =	shalt  }
0x85: {  	_ =	shalt  }
0x86: {  	_ =	shalt  }
0x87: {  	_ =	shalt  }
.Lfunc_end0:
.L_simem_size_0:
called_computation.1_lowered:
.L_overlay_start_0:
0x88: {  	s2 =	sld [smem:$0x3FD9]  }
0x89: {  	s3 =	sld [smem:$0x3FFE];
	_ =	sdelay $0x1  }
0x8a: {  	s1 =	srdreg.scid  }
0x8b: {  	s0 =	sand.u32 $0x1, s1  }
0x8c: {  	s17 =	sshll.u32 s0, $0xA;
	s2 =	sadd.s32 s3, s2  }
0x8d: {  	s2 =	sadd.s32 s2, s17  }
0x8e: {  	[smem:$0x3FC2] =	sst s2  }
0x8f: {  	_ = 	snop  }
0x90: {  	s2 =	sld [smem:$0x3FD0];
	(tm) =	ssettm $0x1  }
0x91: {  	s18 =	sld [smem:$0x3FFB];
	_ =	sdelay $0x3  }
0x92: {  	_ =	strace s18  }
0x93: {  	s3 =	sld [smem:$0x3FFC];
	_ =	sdelay $0x3  }
0x94: {  	_ =	strace s3  }
0x95: {  	s3 =	sld [smem:$0x3FFD];
	_ =	sdelay $0x3  }
0x96: {  	_ =	strace s3  }
0x97: {  	_ =	strace $0x8FFFFFFF  }
0x98: {  	s19 =	sld [smem:$0x3FDB];
	_ =	sdelay $0x1  }
0x99: {  	s4 =	simm.s32 $_scs_section_size  }
0x9a: {  	s5 =	simm.s32 $_size__tile_overlayer_lowered;
	s6 =	simm.s32 $_tile_overlayer_lowered  }
0x9b: {  	s22 =	simm.s32 $0x1BFF;
	s21 =	sshll.u32 s6, $0x1;
	s3 =	sadd.s32 s4, s19  }
0x9c: {  	s7 =	simm.s32 $0x0;
	s20 =	sshll.u32 s5, $0x1;
	s5 =	sadd.s32 s21, s3  }
0x9d: {  	[timem:s7], [sflag:s22] =	dma.local [hbm:s5], s20  }
0x9e: {  	_ =	swait.ge [sflag:s22], s20  }
0x9f: {  	s4 =	ssub.s32 $0x0, s20;
	[sflag:s22] =	ssyncset.done $0x0  }
0xa0: {  	[sflag:s22] =	ssyncadd.s32 s4;
	_ =	sdelay $0x1  }
0xa1: {  	s23 =	simm.s32 $0x1B8B  }
0xa2: {  	_ =	swait.ge [sflag:s23], $0x1  }
0xa3: {  	[sflag:s23] =	ssyncset.done $0x0  }
0xa4: {  	s25 =	simm.s32 $0x1B8E;
	s24 =	sld [smem:$0x3FFE];
	[sflag:s23] =	ssyncadd.s32 $0xFFFFFFFF  }
0xa5: {  	s26 =	simm.s32 $execute0_lowered;
	[smem:$0x3FD2] =	sst s25  }
0xa6: {  	s5 =	sshll.u32 s26, $0x1;
	_ =	strace $0x80000049;
	[dreg:$0x1] =	wrdreg $0xFFFFFFFF  }
0xa7: {  	s28 =	simm.s32 $_size_execute0_lowered;
	s3 =	sadd.s32 s3, s5;
	[dreg:$0x0] =	wrdreg $0x0  }
0xa8: {  	s5 =	sshll.u32 s28, $0x1;
	[dreg:$0x2] =	wrdreg s3  }
0xa9: {  	[dreg:$0x3] =	wrdreg s5  }
0xaa: {  	[dreg:$0x4] =	wrdreg $0xC0  }
0xab: {  	_ =	task [dreg:s7], $0x5FFFF  }
0xac: {  	[dreg:$0x1] =	wrdreg $0xFFFFFFFF  }
0xad: {  	[dreg:$0x0] =	wrdreg $0x60  }
0xae: {  	[dreg:$0x2] =	wrdreg s24  }
0xaf: {  	[dreg:$0x3] =	wrdreg s2  }
0xb0: {  	[dreg:$0x4] =	wrdreg $0xA0000  }
0xb1: {  	[dreg:$0x5] =	wrdreg $0x9  }
0xb2: {  	_ =	task.clear_ibuf [dreg:s7], $0x6FFFF;
	_ =	strace $0x90000049  }
0xb3: {  	s29 =	simm.s32 $0x9;
	_ =	strace $0x8000004B  }
0xb4: {  	_ =	swait.ge [sflag:s29], $0x1  }
0xb5: {  	[sflag:s29] =	ssyncadd.s32 $0xFFFFFFFF  }
0xb6: {  	_ =	strace $0x9000004B  }
0xb7: {  	_ =	sfence  }
0xb8: {  	s30 =	sld [smem:$0x0];
	_ =	sdelay $0x2  }
0xb9: {  	s31 =	sshll.u32 s1, $0xD;
	s1 =	sshrl.u32 s1, $0x2  }
0xba: {  	s3 =	sand.u32 $0x4000, s31;
	s1 =	sadd.s32 s1, s30  }
0xbb: {  	s0 =	sor.u32 s3, s0;
	s1 =	sshll.u32 s1, $0x11  }
0xbc: {  	s0 =	sor.u32 s1, s0  }
0xbd: {  	s0 =	sadd.s32 $0x8F2B, s0  }
0xbe: {  	[sflag:s0] =	ssyncadd.remote.s32 $0x1  }
0xbf: {  	_ =	sfence.sel $0xFFFF  }
0xc0: {  	[dreg:$0x0] =	wrdreg $0xFFFFFFFF;
	(pc) =	sbr.abs _section_cstart, $3  }
0xc1: {  	[dreg:$0x1] =	wrdreg $0xFFFFFFFF  }
0xc2: {  	_ =	task.clear_ibuf [dreg:s7], $0x2FFFF;
	_ =	strace $0x9FFFFFFF  }
0xc3: {  	(tm) =	ssettm $0x7FFFFFFF  }
tec
execute0_lowered:
.L_overlay_start_1:
0x0: {  	(tag) =	ssettag $0x1  }
0x1: {  	s6 =	rddreg [dreg:$0x0]  }
0x2: {  	s2 =	rddreg [dreg:$0x1];
	s0 =	stileid.u32  }
0x3: {  	s1 =	srdreg.scid;
	s3 =	rddreg [dreg:$0x2];
	s4 =	simm.s32 $0x0  }
0x4: {  	s17 =	simm.s32 $0x6000;
	s18 =	simm.s32 $0x1;
	s7 =	smul.u32 $0x600, s0  }
0x5: {  	s8 =	sand.u32 $0x1, s1;
	s1 =	rddreg [dreg:$0x3];
	s10 =	smul.u32 $0x14000, s0  }
0x6: {  	[smem:$0x7FF] =	sst s4;
	s5 =	sadd.s32 $0x16600, s6;
	s12 =	smul.u32 $0x50000, s0  }
0x7: {  	s26 =	sshll.u32 s0, $0xA;
	s31 =	sshll.u32 s0, $0x6;
	s9 =	smul.u32 $0x140000, s8  }
0x8: {  	_ =	strace $0x8000004A;
	s28 =	ssub.s32 $0x2, s8;
	s13 =	sadd.s32 s26, s6  }
0x9: {  	p0 =	seq.s32 s8, $0x1;
	s11 =	sadd.s32 s7, s6;
	s29 =	sshrl.u32 s28, $0x1  }
0xa: {  	s30 =	sshrl.u32 s12, $0x2;
	s9 =	sadd.s32 s10, s9;
	s15 =	ssub.s32 s28, s29  }
.Ltmp0:
0xb: {  	s16 =	sadd.s32 s30, s3;
	s7 =	sadd.s32 $0xA600, s11;
	(pc) =	sbr.rel .LBB2_1-.Ltmp0, $4  }
0xc: {  	s8 =	sadd.s32 $0x10600, s11;
	s10 =	sadd.s32 $0x6600, s13;
	s9 =	sshrl.u32 s9, $0x3  }
0xd: {  	s12 =	smax.u32 s15, $0x1;
	s15 =	simm.s32 $0x3000;
	s14 =	sadd.s32 s9, s6  }
0xe: {  	s6 =	sor.u32 $0x1C02, s31;
	s9 =	sadd.s32 $0x2600, s13;
	s13 =	sshrl.u32 s16, $0x3  }
0xf: {  	s16 =	simm.s32 $0x80;
	s11 =	sadd.s32 $0x3D800, s14;
	s14 =	simm.s32 $0x2  }
.LBB2_7:
0x10: {  	s19 =	sshra.s32 s19, $0x2;
	[sflag:s14] =	ssyncadd.s32 $0xFFFFC000  }
0x11: {  	[tilespmem:s17], [sflag:$0x1] =	stream.indirect.gather [hbm4b:s5+s16], $0x80, s19, s16, $0xb8;
	[tilespmem:$0x1E000] =	vst v63  }
0x12: {  	_ =	swait.ge [sflag:s18], $0x4000  }
0x13: {  	[sflag:s18] =	ssyncset.done $0x0  }
0x14: {  	s19 =	sadd.s32 $0x3000, s19;
	[sflag:s18] =	ssyncadd.s32 $0xFFFFC000  }
0x15: {  	[spmem:s3] =	stream.indirect.scatter.add.f32 [tilespmem:s17], [sflag:$0x2], $0x80, s19, s16, $0xb8;
	[tilespmem:$0x1E000] =	vst v63  }
0x16: {  	_ =	swait.ge [sflag:s14], $0x4000  }
0x17: {  	[sflag:s14] =	ssyncset.done $0x0  }
0x18: {  	[sflag:s14] =	ssyncadd.s32 $0xFFFFC000  }
.LBB2_8:
0x19: {  	s4 =	sadd.s32 $0x1, s4  }
0x1a: {  	p1 =	sne.s32 s4, s12  }
.Ltmp1:
0x1b: {  	[bflag:$0x0] =	sbarrier.arrive $0xFFFF;
	(pc) =	sbr.rel @!p1 .LBB2_9-.Ltmp1, $4  }
0x1c: {  	[hbm:s11], [sflag:s6] =	dma.local [spmem:s13], $0x2800  }
0x1d: {  	_ =	swait.ge [sflag:s14], $0x2800  }
0x1e: {  	[sflag:s14] =	ssyncset.done $0x0  }
0x1f: {  	[sflag:s14] =	ssyncadd.s32 $0xFFFFD800  }
.LBB2_1:
.Ltmp2:
0x20: {  	(pc) =	sbr.rel @!p0 .LBB2_2-.Ltmp2, $4  }
0x21: {  	[spmem:s13], [sflag:s6] =	dma.local [hbm:s2], $0x2800  }
0x22: {  	_ =	swait.ge [sflag:s14], $0x2800  }
0x23: {  	[sflag:s14] =	ssyncset.done $0x0  }
0x24: {  	s19 =	simm.s32 $0x0;
	[sflag:s14] =	ssyncadd.s32 $0xFFFFD800  }
0x25: {  	[tilespmem:s19], [sflag:$0x2] =	stream.linear.gather [hbm4b:s9+s19], $0x1F80, $0x38;
	[tilespmem:$0x1E000] =	vst v63  }
0x26: {  	_ =	swait.ge [sflag:s14], $0x1F80  }
0x27: {  	[sflag:s14] =	ssyncset.done $0x0  }
0x28: {  	[sflag:s14] =	ssyncadd.s32 $0xFFFFE080  }
0x29: {  	[tilespmem:s15], [sflag:$0x2] =	stream.linear.gather [hbm4b:s10+s19], $0x1F80, $0x38;
	[tilespmem:$0x1E000] =	vst v63  }
0x2a: {  	_ =	swait.ge [sflag:s14], $0x1F80  }
0x2b: {  	[sflag:s14] =	ssyncset.done $0x0  }
0x2c: {  	[sflag:s14] =	ssyncadd.s32 $0xFFFFE080  }
0x2d: {  	s30 =	simm.s32 $0x0;
	[bflag:$0x0] =	sbarrier.arrive $0xFFFF  }
0x2e: {  	[tilespmem:s17], [sflag:$0x1] =	stream.indirect.gather [hbm4b:s5+s16], $0x80, s30, s16, $0xb8;
	[tilespmem:$0x1E000] =	vst v63  }
0x2f: {  	_ =	swait.ge [sflag:s18], $0x4000  }
0x30: {  	[sflag:s18] =	ssyncset.done $0x0  }
0x31: {  	s31 =	simm.s32 $0x3000;
	[sflag:s18] =	ssyncadd.s32 $0xFFFFC000  }
0x32: {  	[spmem:s3] =	stream.indirect.scatter.add.f32 [tilespmem:s17], [sflag:$0x2], $0x80, s31, s16, $0xb8;
	[tilespmem:$0x1E000] =	vst v63  }
0x33: {  	_ =	swait.ge [sflag:s14], $0x4000  }
0x34: {  	s20 =	simm.s32 $0x400;
	s19 =	simm.s32 $0x200;
	[sflag:s14] =	ssyncset.done $0x0  }
.LBB2_6:
0x35: {  	s21 =	sshra.s32 s19, $0x2  }
0x36: {  	[sflag:s14] =	ssyncadd.s32 $0xFFFFC000;
	s19 =	smov.u32 s20;
	s22 =	sadd.s32 $0x200, s20  }
0x37: {  	[tilespmem:s17], [sflag:$0x1] =	stream.indirect.gather [hbm4b:s5+s16], $0x80, s21, s16, $0xb8;
	[tilespmem:$0x1E000] =	vst v63  }
0x38: {  	p1 =	sne.s32 s20, $0x7C00;
	_ =	swait.ge [sflag:s18], $0x4000  }
.Ltmp3:
0x39: {  	[sflag:s18] =	ssyncset.done $0x0;
	(pc) =	sbr.rel @p1 .LBB2_6-.Ltmp3, $4  }
0x3a: {  	s20 =	sadd.s32 $0x3000, s21;
	[sflag:s18] =	ssyncadd.s32 $0xFFFFC000  }
0x3b: {  	[spmem:s3] =	stream.indirect.scatter.add.f32 [tilespmem:s17], [sflag:$0x2], $0x80, s20, s16, $0xb8;
	[tilespmem:$0x1E000] =	vst v63  }
0x3c: {  	_ =	swait.ge [sflag:s14], $0x4000  }
0x3d: {  	s20 =	smov.u32 s22;
	[sflag:s14] =	ssyncset.done $0x0  }
.Ltmp4:
0x3e: {  	_ = 	snop;
	(pc) =	sbr.rel .LBB2_7-.Ltmp4, $1  }
0x3f: {  	_ =	sdelay $0x3  }
.LBB2_2:
0x40: {  	[tilespmem:s19], [sflag:$0x2] =	stream.linear.gather [hbm4b:s7+s19], $0x2F00, $0x38;
	[tilespmem:$0x1E000] =	vst v63  }
0x41: {  	_ =	swait.ge [sflag:s14], $0x2F00  }
0x42: {  	[sflag:s14] =	ssyncset.done $0x0  }
0x43: {  	[sflag:s14] =	ssyncadd.s32 $0xFFFFD100  }
0x44: {  	[tilespmem:s15], [sflag:$0x2] =	stream.linear.gather [hbm4b:s8+s19], $0x2F00, $0x38;
	[tilespmem:$0x1E000] =	vst v63  }
0x45: {  	_ =	swait.ge [sflag:s14], $0x2F00  }
0x46: {  	[sflag:s14] =	ssyncset.done $0x0  }
0x47: {  	[sflag:s14] =	ssyncadd.s32 $0xFFFFD100  }
0x48: {  	s30 =	simm.s32 $0x0;
	[bflag:$0x0] =	sbarrier.arrive $0xFFFF  }
0x49: {  	[tilespmem:s17], [sflag:$0x1] =	stream.indirect.gather [hbm4b:s5+s16], $0x80, s30, s16, $0xb8;
	[tilespmem:$0x1E000] =	vst v63  }
0x4a: {  	_ =	swait.ge [sflag:s18], $0x4000  }
0x4b: {  	[sflag:s18] =	ssyncset.done $0x0  }
0x4c: {  	s31 =	simm.s32 $0x3000;
	[sflag:s18] =	ssyncadd.s32 $0xFFFFC000  }
0x4d: {  	[spmem:s3] =	stream.indirect.scatter.add.f32 [tilespmem:s17], [sflag:$0x2], $0x80, s31, s16, $0xb8;
	[tilespmem:$0x1E000] =	vst v63  }
0x4e: {  	_ =	swait.ge [sflag:s14], $0x4000  }
0x4f: {  	s20 =	simm.s32 $0x400;
	s19 =	simm.s32 $0x200;
	[sflag:s14] =	ssyncset.done $0x0  }
.LBB2_3:
0x50: {  	s21 =	sshra.s32 s19, $0x2  }
0x51: {  	[sflag:s14] =	ssyncadd.s32 $0xFFFFC000;
	s19 =	smov.u32 s20;
	s22 =	sadd.s32 $0x200, s20  }
0x52: {  	[tilespmem:s17], [sflag:$0x1] =	stream.indirect.gather [hbm4b:s5+s16], $0x80, s21, s16, $0xb8;
	[tilespmem:$0x1E000] =	vst v63  }
0x53: {  	p1 =	seq.s32 s20, $0xBA00;
	_ =	swait.ge [sflag:s18], $0x4000  }
.Ltmp5:
0x54: {  	[sflag:s18] =	ssyncset.done $0x0;
	(pc) =	sbr.rel @!p1 .LBB2_3-.Ltmp5, $4  }
0x55: {  	s20 =	sadd.s32 $0x3000, s21;
	[sflag:s18] =	ssyncadd.s32 $0xFFFFC000  }
0x56: {  	[spmem:s3] =	stream.indirect.scatter.add.f32 [tilespmem:s17], [sflag:$0x2], $0x80, s20, s16, $0xb8;
	[tilespmem:$0x1E000] =	vst v63  }
0x57: {  	_ =	swait.ge [sflag:s14], $0x4000  }
0x58: {  	s20 =	smov.u32 s22;
	[sflag:s14] =	ssyncset.done $0x0  }
0x59: {  	s19 =	sshra.s32 s19, $0x2;
	[sflag:s14] =	ssyncadd.s32 $0xFFFFC000  }
0x5a: {  	[tilespmem:s17], [sflag:$0x1] =	stream.indirect.gather [hbm4b:s5+s16], $0x80, s19, s16, $0xb8;
	[tilespmem:$0x1E000] =	vst v63  }
0x5b: {  	_ =	swait.ge [sflag:s18], $0x4000  }
0x5c: {  	[sflag:s18] =	ssyncset.done $0x0  }
.Ltmp6:
0x5d: {  	s19 =	sadd.s32 $0x3000, s19;
	[sflag:s18] =	ssyncadd.s32 $0xFFFFC000;
	(pc) =	sbr.rel .LBB2_8-.Ltmp6, $4  }
0x5e: {  	[spmem:s3] =	stream.indirect.scatter.add.f32 [tilespmem:s17], [sflag:$0x2], $0x80, s19, s16, $0xb8;
	[tilespmem:$0x1E000] =	vst v63  }
0x5f: {  	_ =	swait.ge [sflag:s14], $0x4000  }
0x60: {  	[sflag:s14] =	ssyncset.done $0x0  }
0x61: {  	[sflag:s14] =	ssyncadd.s32 $0xFFFFC000  }
.LBB2_9:
0x62: {  	_ =	sfence.sel $0x180000  }
0x63: {  	[bflag:$0x0] =	sbarrier.arrive $0xFFFF  }
0x64: {  	p0 =	sne.s32 s0, $0x0;
	_ =	strace $0x9000004A  }
0x65: {  	s0 =	sadd.s32 @!p0 $0x100000, s1;
	[bflag:$0x2] =	sbarrier.arrive $0xFFFF  }
0x66: {  	[sflag:s0] =	ssyncadd.tile.s32 @!p0 $0x1;
	_ =	shalt  }
.Lfunc_end2:
_tile_overlayer_lowered:
.L_overlay_start_2:
0x67: {  	(tag) =	ssettag $0x2  }
0x68: {  	s0 =	rddreg [dreg:$0x0];
	s2 =	stileid.u32  }
0x69: {  	s1 =	rddreg [dreg:$0x1];
	p0 =	sne.s32 s2, $0x0  }
0x6a: {  	s3 =	rddreg [dreg:$0x2];
	[bflag:$0x3] =	sbarrier.arrive $0xFFFF;
	s2 =	simm.s32 @!p0 $0x1C02  }
0x6b: {  	[timem:s3], [sflag:s2] =	dma.local @!p0 [hbm:s0], s1  }
0x6c: {  	s0 =	simm.s32 @!p0 $0x2  }
0x6d: {  	_ =	swait.ge @!p0 [sflag:s0], s1  }
0x6e: {  	s1 =	ssub.s32 @!p0 $0x0, s1;
	[sflag:s0] =	ssyncset.done @!p0 $0x0  }
0x6f: {  	[sflag:s0] =	ssyncadd.s32 @!p0 s1  }
0x70: {  	[bflag:$0x3] =	sbarrier.arrive $0xFFFF  }
0x71: {  	_ =	shalt  }

// kernel: kernel.14.cloned.1.call-start
scs
__scs_entry_jumppad:
0x0: {  	(pc) =	sbr.rel $0x88, $3  }
0x1: {  	(tag) =	ssettag $0x0;
	lr =	simm.s32 $0x1  }
0x2: {  	[smem:$0x3F9B] =	sst lr;
	_ =	strace $0xD0000000  }
0x3: {  	_ = 	snop  }
0x4: {  	_ = 	snop  }
0x5: {  	_ = 	snop  }
0x6: {  	_ = 	snop  }
0x7: {  	_ = 	snop  }
__scs_overlays_trampoline_lowered:
0x8: {  	[smem:$0x3FAA] =	sst s0  }
0x9: {  	[smem:$0x3FAB] =	sst s1  }
0xa: {  	[smem:$0x3FAC] =	sst s2  }
0xb: {  	[smem:$0x3FAD] =	sst s3  }
0xc: {  	[smem:$0x3FAE] =	sst s4  }
0xd: {  	[smem:$0x3FAF] =	sst s5  }
0xe: {  	[smem:$0x3FB0] =	sst s6  }
0xf: {  	[smem:$0x3FB1] =	sst s7  }
0x10: {  	[smem:$0x3FB2] =	sst s8  }
0x11: {  	[smem:$0x3FB3] =	sst s9;
	s0 =	simm.s32 @!p0 $0x0  }
0x12: {  	s1 =	sld [smem:$0x3F99];
	s0 =	simm.s32 @p0 $0x1  }
0x13: {  	[smem:$0x3FB4] =	sst s0;
	s0 =	simm.s32 @!p1 $0x0  }
0x14: {  	s2 =	sld [smem:$0x3F98];
	s0 =	simm.s32 @p1 $0x1  }
0x15: {  	[smem:$0x3FB5] =	sst s0;
	s0 =	simm.s32 @!p2 $0x0  }
0x16: {  	s3 =	sld [smem:$0x3FDB];
	s0 =	simm.s32 @p2 $0x1  }
0x17: {  	s4 =	simm.s32 $0x1BF5;
	[smem:$0x3FB7] =	sst s0  }
0x18: {  	s0 =	sld [smem:$0x3F9A];
	_ =	swait.ge [sflag:s4], $0x0  }
0x19: {  	s7 =	sld [smem:$0x3F9B]  }
0x1a: {  	s8 =	sadd.s32 $0xFFFFE003, lr  }
0x1b: {  	s9 =	sadd.s32 $0xFFFFFEF7, lr;
	s5 =	simm.s32 $0xFFFFFFFF;
	p2 =	slt.u32 s8, $0xFFFFF086  }
0x1c: {  	p1 =	slt.u32 s9, $0xF7A;
	s5 =	simm.s32 @!p2 $0x0  }
0x1d: {  	s5 =	simm.s32 @p1 $0x1;
	p0 =	seq.s32 s7, s2  }
0x1e: {  	s7 =	smul.u32 @!p0 $0xF7A, s2;
	p2 =	seq.s32 @!p0 s5, $0x0  }
0x1f: {  	s9 =	smul.u32 $0xF7A, s1;
	s8 =	simm.s32 @!p0 $0x1BF5;
	p2 =	por !p2, p0  }
0x20: {  	[sflag:s8] =	ssyncset.s32 @!p0 $0xFFFFF086;
	s6 =	sadd.s32 @!p0 s3, s7;
	s7 =	simm.s32 @!p0 $0x108  }
0x21: {  	s3 =	sadd.s32 s3, s9;
	s6 =	sadd.s32 @!p0 $0x88, s6;
	s7 =	simm.s32 @p2 $0x1082  }
0x22: {  	[simem:s7], [sflag:s8] =	dma.local @!p0 [hbm:s6], $0xF7A  }
0x23: {  	s9 =	sor.u32 $0xD0000000, s2;
	s6 =	simm.s32 $0x108;
	_ =	swait.ge @!p0 [sflag:s8], $0x0  }
0x24: {  	s3 =	sadd.s32 $0x88, s3;
	s6 =	simm.s32 @!p1 $0x1082;
	[sflag:s4] =	ssyncset.s32 $0xFFFFF086  }
0x25: {  	[simem:s6], [sflag:s4] =	dma.local [hbm:s3], $0xF7A  }
0x26: {  	[smem:$0x3F9B] =	sst s1;
	(tag) =	ssettag s2;
	_ =	strace s9  }
0x27: {  	s1 =	sld [smem:$0x3FAB]  }
0x28: {  	s2 =	sld [smem:$0x3FAC]  }
0x29: {  	s4 =	sld [smem:$0x3FAE]  }
0x2a: {  	p0 =	seq.s32 s5, $0x0;
	s5 =	sld [smem:$0x3FAF]  }
0x2b: {  	s6 =	sld [smem:$0x3FB0]  }
0x2c: {  	s7 =	sld [smem:$0x3FB1]  }
0x2d: {  	s3 =	simm.s32 $0x108;
	s8 =	sld [smem:$0x3FB2]  }
0x2e: {  	s3 =	simm.s32 @!p0 $0x1082;
	s9 =	sld [smem:$0x3FB3]  }
0x2f: {  	lr =	sadd.s32 s0, s3;
	s0 =	sld [smem:$0x3FAA]  }
0x30: {  	s3 =	sld [smem:$0x3FAD]  }
0x31: {  	[smem:$0x3FB6] =	sst s10  }
0x32: {  	s10 =	sld [smem:$0x3FB4];
	_ =	sdelay $0x3  }
0x33: {  	p0 =	seq.s32 s10, $0x1;
	s10 =	sld [smem:$0x3FB6];
	_ =	sdelay $0x3  }
0x34: {  	[smem:$0x3FB6] =	sst s10  }
0x35: {  	s10 =	sld [smem:$0x3FB5];
	_ =	sdelay $0x3  }
0x36: {  	p1 =	seq.s32 s10, $0x1;
	s10 =	sld [smem:$0x3FB6];
	_ =	sdelay $0x3  }
0x37: {  	[smem:$0x3FB6] =	sst s10  }
0x38: {  	s10 =	sld [smem:$0x3FB7]  }
0x39: {  	_ = 	snop;
	(pc) =	sbr.ind lr, $3  }
0x3a: {  	_ = 	snop  }
0x3b: {  	_ = 	snop  }
0x3c: {  	p2 =	seq.s32 s10, $0x1;
	s10 =	sld [smem:$0x3FB6]  }
0x3d: {  	_ =	shalt  }
0x3e: {  	_ =	shalt  }
0x3f: {  	_ =	shalt  }
0x40: {  	_ =	shalt  }
0x41: {  	_ =	shalt  }
0x42: {  	_ =	shalt  }
0x43: {  	_ =	shalt  }
0x44: {  	_ =	shalt  }
0x45: {  	_ =	shalt  }
0x46: {  	_ =	shalt  }
0x47: {  	_ =	shalt  }
0x48: {  	_ =	shalt  }
0x49: {  	_ =	shalt  }
0x4a: {  	_ =	shalt  }
0x4b: {  	_ =	shalt  }
0x4c: {  	_ =	shalt  }
0x4d: {  	_ =	shalt  }
0x4e: {  	_ =	shalt  }
0x4f: {  	_ =	shalt  }
0x50: {  	_ =	shalt  }
0x51: {  	_ =	shalt  }
0x52: {  	_ =	shalt  }
0x53: {  	_ =	shalt  }
0x54: {  	_ =	shalt  }
0x55: {  	_ =	shalt  }
0x56: {  	_ =	shalt  }
0x57: {  	_ =	shalt  }
0x58: {  	_ =	shalt  }
0x59: {  	_ =	shalt  }
0x5a: {  	_ =	shalt  }
0x5b: {  	_ =	shalt  }
0x5c: {  	_ =	shalt  }
0x5d: {  	_ =	shalt  }
0x5e: {  	_ =	shalt  }
0x5f: {  	_ =	shalt  }
0x60: {  	_ =	shalt  }
0x61: {  	_ =	shalt  }
0x62: {  	_ =	shalt  }
0x63: {  	_ =	shalt  }
0x64: {  	_ =	shalt  }
0x65: {  	_ =	shalt  }
0x66: {  	_ =	shalt  }
0x67: {  	_ =	shalt  }
0x68: {  	_ =	shalt  }
0x69: {  	_ =	shalt  }
0x6a: {  	_ =	shalt  }
0x6b: {  	_ =	shalt  }
0x6c: {  	_ =	shalt  }
0x6d: {  	_ =	shalt  }
0x6e: {  	_ =	shalt  }
0x6f: {  	_ =	shalt  }
0x70: {  	_ =	shalt  }
0x71: {  	_ =	shalt  }
0x72: {  	_ =	shalt  }
0x73: {  	_ =	shalt  }
0x74: {  	_ =	shalt  }
0x75: {  	_ =	shalt  }
0x76: {  	_ =	shalt  }
0x77: {  	_ =	shalt  }
0x78: {  	_ =	shalt  }
0x79: {  	_ =	shalt  }
0x7a: {  	_ =	shalt  }
0x7b: {  	_ =	shalt  }
0x7c: {  	_ =	shalt  }
0x7d: {  	_ =	shalt  }
0x7e: {  	_ =	shalt  }
0x7f: {  	_ =	shalt  }
0x80: {  	_ =	shalt  }
0x81: {  	_ =	shalt  }
0x82: {  	_ =	shalt  }
0x83: {  	_ =	shalt  }
0x84: {  	_ =	shalt  }
0x85: {  	_ =	shalt  }
0x86: {  	_ =	shalt  }
0x87: {  	_ =	shalt  }
.Lfunc_end0:
.L_simem_size_0:
called_computation.2_lowered:
.L_overlay_start_0:
0x88: {  	s2 =	sld [smem:$0x3FD9]  }
0x89: {  	s3 =	sld [smem:$0x3FFE];
	_ =	sdelay $0x1  }
0x8a: {  	s1 =	srdreg.scid  }
0x8b: {  	s0 =	sand.u32 $0x1, s1  }
0x8c: {  	s17 =	sshll.u32 s0, $0xA;
	s2 =	sadd.s32 s3, s2  }
0x8d: {  	s2 =	sadd.s32 s2, s17  }
0x8e: {  	[smem:$0x3FC2] =	sst s2  }
0x8f: {  	_ = 	snop  }
0x90: {  	s2 =	sld [smem:$0x3FD0];
	(tm) =	ssettm $0x1  }
0x91: {  	s18 =	sld [smem:$0x3FFB];
	_ =	sdelay $0x3  }
0x92: {  	_ =	strace s18  }
0x93: {  	s3 =	sld [smem:$0x3FFC];
	_ =	sdelay $0x3  }
0x94: {  	_ =	strace s3  }
0x95: {  	s3 =	sld [smem:$0x3FFD];
	_ =	sdelay $0x3  }
0x96: {  	_ =	strace s3  }
0x97: {  	_ =	strace $0x8FFFFFFF  }
0x98: {  	s19 =	sld [smem:$0x3FDB];
	_ =	sdelay $0x1  }
0x99: {  	s4 =	simm.s32 $_scs_section_size  }
0x9a: {  	s5 =	simm.s32 $_size__tile_overlayer_lowered;
	s6 =	simm.s32 $_tile_overlayer_lowered  }
0x9b: {  	s22 =	simm.s32 $0x1BFF;
	s21 =	sshll.u32 s6, $0x1;
	s3 =	sadd.s32 s4, s19  }
0x9c: {  	s7 =	simm.s32 $0x0;
	s20 =	sshll.u32 s5, $0x1;
	s5 =	sadd.s32 s21, s3  }
0x9d: {  	[timem:s7], [sflag:s22] =	dma.local [hbm:s5], s20  }
0x9e: {  	_ =	swait.ge [sflag:s22], s20  }
0x9f: {  	s4 =	ssub.s32 $0x0, s20;
	[sflag:s22] =	ssyncset.done $0x0  }
0xa0: {  	[sflag:s22] =	ssyncadd.s32 s4;
	_ =	sdelay $0x1  }
0xa1: {  	s23 =	simm.s32 $0x1B8B  }
0xa2: {  	_ =	swait.ge [sflag:s23], $0x1  }
0xa3: {  	[sflag:s23] =	ssyncset.done $0x0  }
0xa4: {  	s25 =	simm.s32 $0x1B8E;
	s24 =	sld [smem:$0x3FFE];
	[sflag:s23] =	ssyncadd.s32 $0xFFFFFFFF  }
0xa5: {  	s26 =	simm.s32 $execute0_lowered;
	[smem:$0x3FD2] =	sst s25  }
0xa6: {  	s5 =	sshll.u32 s26, $0x1;
	_ =	strace $0x8000004C;
	[dreg:$0x1] =	wrdreg $0xFFFFFFFF  }
0xa7: {  	s28 =	simm.s32 $_size_execute0_lowered;
	s3 =	sadd.s32 s3, s5;
	[dreg:$0x0] =	wrdreg $0x0  }
0xa8: {  	s5 =	sshll.u32 s28, $0x1;
	[dreg:$0x2] =	wrdreg s3  }
0xa9: {  	[dreg:$0x3] =	wrdreg s5  }
0xaa: {  	[dreg:$0x4] =	wrdreg $0xC0  }
0xab: {  	_ =	task [dreg:s7], $0x5FFFF  }
0xac: {  	[dreg:$0x1] =	wrdreg $0xFFFFFFFF  }
0xad: {  	[dreg:$0x0] =	wrdreg $0x60  }
0xae: {  	[dreg:$0x2] =	wrdreg s24  }
0xaf: {  	[dreg:$0x3] =	wrdreg s2  }
0xb0: {  	[dreg:$0x4] =	wrdreg $0xA0000  }
0xb1: {  	[dreg:$0x5] =	wrdreg $0x9  }
0xb2: {  	_ =	task.clear_ibuf [dreg:s7], $0x6FFFF;
	_ =	strace $0x9000004C  }
0xb3: {  	s29 =	simm.s32 $0x9;
	_ =	strace $0x8000004E  }
0xb4: {  	_ =	swait.ge [sflag:s29], $0x1  }
0xb5: {  	[sflag:s29] =	ssyncadd.s32 $0xFFFFFFFF  }
0xb6: {  	_ =	strace $0x9000004E  }
0xb7: {  	_ =	sfence  }
0xb8: {  	s30 =	sld [smem:$0x0];
	_ =	sdelay $0x2  }
0xb9: {  	s31 =	sshll.u32 s1, $0xD;
	s1 =	sshrl.u32 s1, $0x2  }
0xba: {  	s3 =	sand.u32 $0x4000, s31;
	s1 =	sadd.s32 s1, s30  }
0xbb: {  	s0 =	sor.u32 s3, s0;
	s1 =	sshll.u32 s1, $0x11  }
0xbc: {  	s0 =	sor.u32 s1, s0  }
0xbd: {  	s0 =	sadd.s32 $0x8F2B, s0  }
0xbe: {  	[sflag:s0] =	ssyncadd.remote.s32 $0x1  }
0xbf: {  	_ =	sfence.sel $0xFFFF  }
0xc0: {  	[dreg:$0x0] =	wrdreg $0xFFFFFFFF;
	(pc) =	sbr.abs _section_cstart, $3  }
0xc1: {  	[dreg:$0x1] =	wrdreg $0xFFFFFFFF  }
0xc2: {  	_ =	task.clear_ibuf [dreg:s7], $0x2FFFF;
	_ =	strace $0x9FFFFFFF  }
0xc3: {  	(tm) =	ssettm $0x7FFFFFFF  }
tec
execute0_lowered:
.L_overlay_start_1:
0x0: {  	(tag) =	ssettag $0x1  }
0x1: {  	s6 =	rddreg [dreg:$0x0]  }
0x2: {  	s2 =	rddreg [dreg:$0x1];
	s0 =	stileid.u32  }
0x3: {  	s1 =	srdreg.scid;
	s3 =	rddreg [dreg:$0x2];
	s4 =	simm.s32 $0x0  }
0x4: {  	s17 =	simm.s32 $0x6000;
	s18 =	simm.s32 $0x1;
	s7 =	smul.u32 $0x600, s0  }
0x5: {  	s8 =	sand.u32 $0x1, s1;
	s1 =	rddreg [dreg:$0x3];
	s10 =	smul.u32 $0x14000, s0  }
0x6: {  	[smem:$0x7FF] =	sst s4;
	s5 =	sadd.s32 $0x16600, s6;
	s12 =	smul.u32 $0x50000, s0  }
0x7: {  	s26 =	sshll.u32 s0, $0xA;
	s31 =	sshll.u32 s0, $0x6;
	s9 =	smul.u32 $0x140000, s8  }
0x8: {  	_ =	strace $0x8000004D;
	s28 =	ssub.s32 $0x2, s8;
	s13 =	sadd.s32 s26, s6  }
0x9: {  	p0 =	seq.s32 s8, $0x1;
	s11 =	sadd.s32 s7, s6;
	s29 =	sshrl.u32 s28, $0x1  }
0xa: {  	s30 =	sshrl.u32 s12, $0x2;
	s9 =	sadd.s32 s10, s9;
	s15 =	ssub.s32 s28, s29  }
.Ltmp0:
0xb: {  	s16 =	sadd.s32 s30, s3;
	s7 =	sadd.s32 $0xA600, s11;
	(pc) =	sbr.rel .LBB2_1-.Ltmp0, $4  }
0xc: {  	s8 =	sadd.s32 $0x10600, s11;
	s10 =	sadd.s32 $0x6600, s13;
	s9 =	sshrl.u32 s9, $0x3  }
0xd: {  	s12 =	smax.u32 s15, $0x1;
	s15 =	simm.s32 $0x3000;
	s14 =	sadd.s32 s9, s6  }
0xe: {  	s6 =	sor.u32 $0x1C02, s31;
	s9 =	sadd.s32 $0x2600, s13;
	s13 =	sshrl.u32 s16, $0x3  }
0xf: {  	s16 =	simm.s32 $0x80;
	s11 =	sadd.s32 $0x3D800, s14;
	s14 =	simm.s32 $0x2  }
.LBB2_7:
0x10: {  	s19 =	sshra.s32 s19, $0x2;
	[sflag:s14] =	ssyncadd.s32 $0xFFFFC000  }
0x11: {  	[tilespmem:s17], [sflag:$0x1] =	stream.indirect.gather [hbm4b:s5+s16], $0x80, s19, s16, $0xb8;
	[tilespmem:$0x1E000] =	vst v63  }
0x12: {  	_ =	swait.ge [sflag:s18], $0x4000  }
0x13: {  	[sflag:s18] =	ssyncset.done $0x0  }
0x14: {  	s19 =	sadd.s32 $0x3000, s19;
	[sflag:s18] =	ssyncadd.s32 $0xFFFFC000  }
0x15: {  	[spmem:s3] =	stream.indirect.scatter.add.f32 [tilespmem:s17], [sflag:$0x2], $0x80, s19, s16, $0xb8;
	[tilespmem:$0x1E000] =	vst v63  }
0x16: {  	_ =	swait.ge [sflag:s14], $0x4000  }
0x17: {  	[sflag:s14] =	ssyncset.done $0x0  }
0x18: {  	[sflag:s14] =	ssyncadd.s32 $0xFFFFC000  }
.LBB2_8:
0x19: {  	s4 =	sadd.s32 $0x1, s4  }
0x1a: {  	p1 =	sne.s32 s4, s12  }
.Ltmp1:
0x1b: {  	[bflag:$0x0] =	sbarrier.arrive $0xFFFF;
	(pc) =	sbr.rel @!p1 .LBB2_9-.Ltmp1, $4  }
0x1c: {  	[hbm:s11], [sflag:s6] =	dma.local [spmem:s13], $0x2800  }
0x1d: {  	_ =	swait.ge [sflag:s14], $0x2800  }
0x1e: {  	[sflag:s14] =	ssyncset.done $0x0  }
0x1f: {  	[sflag:s14] =	ssyncadd.s32 $0xFFFFD800  }
.LBB2_1:
.Ltmp2:
0x20: {  	(pc) =	sbr.rel @!p0 .LBB2_2-.Ltmp2, $4  }
0x21: {  	[spmem:s13], [sflag:s6] =	dma.local [hbm:s2], $0x2800  }
0x22: {  	_ =	swait.ge [sflag:s14], $0x2800  }
0x23: {  	[sflag:s14] =	ssyncset.done $0x0  }
0x24: {  	s19 =	simm.s32 $0x0;
	[sflag:s14] =	ssyncadd.s32 $0xFFFFD800  }
0x25: {  	[tilespmem:s19], [sflag:$0x2] =	stream.linear.gather [hbm4b:s9+s19], $0x1F80, $0x38;
	[tilespmem:$0x1E000] =	vst v63  }
0x26: {  	_ =	swait.ge [sflag:s14], $0x1F80  }
0x27: {  	[sflag:s14] =	ssyncset.done $0x0  }
0x28: {  	[sflag:s14] =	ssyncadd.s32 $0xFFFFE080  }
0x29: {  	[tilespmem:s15], [sflag:$0x2] =	stream.linear.gather [hbm4b:s10+s19], $0x1F80, $0x38;
	[tilespmem:$0x1E000] =	vst v63  }
0x2a: {  	_ =	swait.ge [sflag:s14], $0x1F80  }
0x2b: {  	[sflag:s14] =	ssyncset.done $0x0  }
0x2c: {  	[sflag:s14] =	ssyncadd.s32 $0xFFFFE080  }
0x2d: {  	s30 =	simm.s32 $0x0;
	[bflag:$0x0] =	sbarrier.arrive $0xFFFF  }
0x2e: {  	[tilespmem:s17], [sflag:$0x1] =	stream.indirect.gather [hbm4b:s5+s16], $0x80, s30, s16, $0xb8;
	[tilespmem:$0x1E000] =	vst v63  }
0x2f: {  	_ =	swait.ge [sflag:s18], $0x4000  }
0x30: {  	[sflag:s18] =	ssyncset.done $0x0  }
0x31: {  	s31 =	simm.s32 $0x3000;
	[sflag:s18] =	ssyncadd.s32 $0xFFFFC000  }
0x32: {  	[spmem:s3] =	stream.indirect.scatter.add.f32 [tilespmem:s17], [sflag:$0x2], $0x80, s31, s16, $0xb8;
	[tilespmem:$0x1E000] =	vst v63  }
0x33: {  	_ =	swait.ge [sflag:s14], $0x4000  }
0x34: {  	s20 =	simm.s32 $0x400;
	s19 =	simm.s32 $0x200;
	[sflag:s14] =	ssyncset.done $0x0  }
.LBB2_6:
0x35: {  	s21 =	sshra.s32 s19, $0x2  }
0x36: {  	[sflag:s14] =	ssyncadd.s32 $0xFFFFC000;
	s19 =	smov.u32 s20;
	s22 =	sadd.s32 $0x200, s20  }
0x37: {  	[tilespmem:s17], [sflag:$0x1] =	stream.indirect.gather [hbm4b:s5+s16], $0x80, s21, s16, $0xb8;
	[tilespmem:$0x1E000] =	vst v63  }
0x38: {  	p1 =	sne.s32 s20, $0x7C00;
	_ =	swait.ge [sflag:s18], $0x4000  }
.Ltmp3:
0x39: {  	[sflag:s18] =	ssyncset.done $0x0;
	(pc) =	sbr.rel @p1 .LBB2_6-.Ltmp3, $4  }
0x3a: {  	s20 =	sadd.s32 $0x3000, s21;
	[sflag:s18] =	ssyncadd.s32 $0xFFFFC000  }
0x3b: {  	[spmem:s3] =	stream.indirect.scatter.add.f32 [tilespmem:s17], [sflag:$0x2], $0x80, s20, s16, $0xb8;
	[tilespmem:$0x1E000] =	vst v63  }
0x3c: {  	_ =	swait.ge [sflag:s14], $0x4000  }
0x3d: {  	s20 =	smov.u32 s22;
	[sflag:s14] =	ssyncset.done $0x0  }
.Ltmp4:
0x3e: {  	_ = 	snop;
	(pc) =	sbr.rel .LBB2_7-.Ltmp4, $1  }
0x3f: {  	_ =	sdelay $0x3  }
.LBB2_2:
0x40: {  	[tilespmem:s19], [sflag:$0x2] =	stream.linear.gather [hbm4b:s7+s19], $0x2F00, $0x38;
	[tilespmem:$0x1E000] =	vst v63  }
0x41: {  	_ =	swait.ge [sflag:s14], $0x2F00  }
0x42: {  	[sflag:s14] =	ssyncset.done $0x0  }
0x43: {  	[sflag:s14] =	ssyncadd.s32 $0xFFFFD100  }
0x44: {  	[tilespmem:s15], [sflag:$0x2] =	stream.linear.gather [hbm4b:s8+s19], $0x2F00, $0x38;
	[tilespmem:$0x1E000] =	vst v63  }
0x45: {  	_ =	swait.ge [sflag:s14], $0x2F00  }
0x46: {  	[sflag:s14] =	ssyncset.done $0x0  }
0x47: {  	[sflag:s14] =	ssyncadd.s32 $0xFFFFD100  }
0x48: {  	s30 =	simm.s32 $0x0;
	[bflag:$0x0] =	sbarrier.arrive $0xFFFF  }
0x49: {  	[tilespmem:s17], [sflag:$0x1] =	stream.indirect.gather [hbm4b:s5+s16], $0x80, s30, s16, $0xb8;
	[tilespmem:$0x1E000] =	vst v63  }
0x4a: {  	_ =	swait.ge [sflag:s18], $0x4000  }
0x4b: {  	[sflag:s18] =	ssyncset.done $0x0  }
0x4c: {  	s31 =	simm.s32 $0x3000;
	[sflag:s18] =	ssyncadd.s32 $0xFFFFC000  }
0x4d: {  	[spmem:s3] =	stream.indirect.scatter.add.f32 [tilespmem:s17], [sflag:$0x2], $0x80, s31, s16, $0xb8;
	[tilespmem:$0x1E000] =	vst v63  }
0x4e: {  	_ =	swait.ge [sflag:s14], $0x4000  }
0x4f: {  	s20 =	simm.s32 $0x400;
	s19 =	simm.s32 $0x200;
	[sflag:s14] =	ssyncset.done $0x0  }
.LBB2_3:
0x50: {  	s21 =	sshra.s32 s19, $0x2  }
0x51: {  	[sflag:s14] =	ssyncadd.s32 $0xFFFFC000;
	s19 =	smov.u32 s20;
	s22 =	sadd.s32 $0x200, s20  }
0x52: {  	[tilespmem:s17], [sflag:$0x1] =	stream.indirect.gather [hbm4b:s5+s16], $0x80, s21, s16, $0xb8;
	[tilespmem:$0x1E000] =	vst v63  }
0x53: {  	p1 =	seq.s32 s20, $0xBA00;
	_ =	swait.ge [sflag:s18], $0x4000  }
.Ltmp5:
0x54: {  	[sflag:s18] =	ssyncset.done $0x0;
	(pc) =	sbr.rel @!p1 .LBB2_3-.Ltmp5, $4  }
0x55: {  	s20 =	sadd.s32 $0x3000, s21;
	[sflag:s18] =	ssyncadd.s32 $0xFFFFC000  }
0x56: {  	[spmem:s3] =	stream.indirect.scatter.add.f32 [tilespmem:s17], [sflag:$0x2], $0x80, s20, s16, $0xb8;
	[tilespmem:$0x1E000] =	vst v63  }
0x57: {  	_ =	swait.ge [sflag:s14], $0x4000  }
0x58: {  	s20 =	smov.u32 s22;
	[sflag:s14] =	ssyncset.done $0x0  }
0x59: {  	s19 =	sshra.s32 s19, $0x2;
	[sflag:s14] =	ssyncadd.s32 $0xFFFFC000  }
0x5a: {  	[tilespmem:s17], [sflag:$0x1] =	stream.indirect.gather [hbm4b:s5+s16], $0x80, s19, s16, $0xb8;
	[tilespmem:$0x1E000] =	vst v63  }
0x5b: {  	_ =	swait.ge [sflag:s18], $0x4000  }
0x5c: {  	[sflag:s18] =	ssyncset.done $0x0  }
.Ltmp6:
0x5d: {  	s19 =	sadd.s32 $0x3000, s19;
	[sflag:s18] =	ssyncadd.s32 $0xFFFFC000;
	(pc) =	sbr.rel .LBB2_8-.Ltmp6, $4  }
0x5e: {  	[spmem:s3] =	stream.indirect.scatter.add.f32 [tilespmem:s17], [sflag:$0x2], $0x80, s19, s16, $0xb8;
	[tilespmem:$0x1E000] =	vst v63  }
0x5f: {  	_ =	swait.ge [sflag:s14], $0x4000  }
0x60: {  	[sflag:s14] =	ssyncset.done $0x0  }
0x61: {  	[sflag:s14] =	ssyncadd.s32 $0xFFFFC000  }
.LBB2_9:
0x62: {  	_ =	sfence.sel $0x180000  }
0x63: {  	[bflag:$0x0] =	sbarrier.arrive $0xFFFF  }
0x64: {  	p0 =	sne.s32 s0, $0x0;
	_ =	strace $0x9000004D  }
0x65: {  	s0 =	sadd.s32 @!p0 $0x100000, s1;
	[bflag:$0x2] =	sbarrier.arrive $0xFFFF  }
0x66: {  	[sflag:s0] =	ssyncadd.tile.s32 @!p0 $0x1;
	_ =	shalt  }
.Lfunc_end2:
_tile_overlayer_lowered:
.L_overlay_start_2:
0x67: {  	(tag) =	ssettag $0x2  }
0x68: {  	s0 =	rddreg [dreg:$0x0];
	s2 =	stileid.u32  }
0x69: {  	s1 =	rddreg [dreg:$0x1];
	p0 =	sne.s32 s2, $0x0  }
0x6a: {  	s3 =	rddreg [dreg:$0x2];
	[bflag:$0x3] =	sbarrier.arrive $0xFFFF;
	s2 =	simm.s32 @!p0 $0x1C02  }
0x6b: {  	[timem:s3], [sflag:s2] =	dma.local @!p0 [hbm:s0], s1  }
0x6c: {  	s0 =	simm.s32 @!p0 $0x2  }
0x6d: {  	_ =	swait.ge @!p0 [sflag:s0], s1  }
0x6e: {  	s1 =	ssub.s32 @!p0 $0x0, s1;
	[sflag:s0] =	ssyncset.done @!p0 $0x0  }
0x6f: {  	[sflag:s0] =	ssyncadd.s32 @!p0 s1  }
0x70: {  	[bflag:$0x3] =	sbarrier.arrive $0xFFFF  }
0x71: {  	_ =	shalt  }

// kernel: kernel.8.cloned.1.call-start
scs
__scs_entry_jumppad:
0x0: {  	(pc) =	sbr.rel $0x88, $3  }
0x1: {  	(tag) =	ssettag $0x0;
	lr =	simm.s32 $0x1  }
0x2: {  	[smem:$0x3F9B] =	sst lr;
	_ =	strace $0xD0000000  }
0x3: {  	_ = 	snop  }
0x4: {  	_ = 	snop  }
0x5: {  	_ = 	snop  }
0x6: {  	_ = 	snop  }
0x7: {  	_ = 	snop  }
__scs_overlays_trampoline_lowered:
0x8: {  	[smem:$0x3FAA] =	sst s0  }
0x9: {  	[smem:$0x3FAB] =	sst s1  }
0xa: {  	[smem:$0x3FAC] =	sst s2  }
0xb: {  	[smem:$0x3FAD] =	sst s3  }
0xc: {  	[smem:$0x3FAE] =	sst s4  }
0xd: {  	[smem:$0x3FAF] =	sst s5  }
0xe: {  	[smem:$0x3FB0] =	sst s6  }
0xf: {  	[smem:$0x3FB1] =	sst s7  }
0x10: {  	[smem:$0x3FB2] =	sst s8  }
0x11: {  	[smem:$0x3FB3] =	sst s9;
	s0 =	simm.s32 @!p0 $0x0  }
0x12: {  	s1 =	sld [smem:$0x3F99];
	s0 =	simm.s32 @p0 $0x1  }
0x13: {  	[smem:$0x3FB4] =	sst s0;
	s0 =	simm.s32 @!p1 $0x0  }
0x14: {  	s2 =	sld [smem:$0x3F98];
	s0 =	simm.s32 @p1 $0x1  }
0x15: {  	[smem:$0x3FB5] =	sst s0;
	s0 =	simm.s32 @!p2 $0x0  }
0x16: {  	s3 =	sld [smem:$0x3FDB];
	s0 =	simm.s32 @p2 $0x1  }
0x17: {  	s4 =	simm.s32 $0x1BF5;
	[smem:$0x3FB7] =	sst s0  }
0x18: {  	s0 =	sld [smem:$0x3F9A];
	_ =	swait.ge [sflag:s4], $0x0  }
0x19: {  	s7 =	sld [smem:$0x3F9B]  }
0x1a: {  	s8 =	sadd.s32 $0xFFFFE003, lr  }
0x1b: {  	s9 =	sadd.s32 $0xFFFFFEF7, lr;
	s5 =	simm.s32 $0xFFFFFFFF;
	p2 =	slt.u32 s8, $0xFFFFF086  }
0x1c: {  	p1 =	slt.u32 s9, $0xF7A;
	s5 =	simm.s32 @!p2 $0x0  }
0x1d: {  	s5 =	simm.s32 @p1 $0x1;
	p0 =	seq.s32 s7, s2  }
0x1e: {  	s7 =	smul.u32 @!p0 $0xF7A, s2;
	p2 =	seq.s32 @!p0 s5, $0x0  }
0x1f: {  	s9 =	smul.u32 $0xF7A, s1;
	s8 =	simm.s32 @!p0 $0x1BF5;
	p2 =	por !p2, p0  }
0x20: {  	[sflag:s8] =	ssyncset.s32 @!p0 $0xFFFFF086;
	s6 =	sadd.s32 @!p0 s3, s7;
	s7 =	simm.s32 @!p0 $0x108  }
0x21: {  	s3 =	sadd.s32 s3, s9;
	s6 =	sadd.s32 @!p0 $0x88, s6;
	s7 =	simm.s32 @p2 $0x1082  }
0x22: {  	[simem:s7], [sflag:s8] =	dma.local @!p0 [hbm:s6], $0xF7A  }
0x23: {  	s9 =	sor.u32 $0xD0000000, s2;
	s6 =	simm.s32 $0x108;
	_ =	swait.ge @!p0 [sflag:s8], $0x0  }
0x24: {  	s3 =	sadd.s32 $0x88, s3;
	s6 =	simm.s32 @!p1 $0x1082;
	[sflag:s4] =	ssyncset.s32 $0xFFFFF086  }
0x25: {  	[simem:s6], [sflag:s4] =	dma.local [hbm:s3], $0xF7A  }
0x26: {  	[smem:$0x3F9B] =	sst s1;
	(tag) =	ssettag s2;
	_ =	strace s9  }
0x27: {  	s1 =	sld [smem:$0x3FAB]  }
0x28: {  	s2 =	sld [smem:$0x3FAC]  }
0x29: {  	s4 =	sld [smem:$0x3FAE]  }
0x2a: {  	p0 =	seq.s32 s5, $0x0;
	s5 =	sld [smem:$0x3FAF]  }
0x2b: {  	s6 =	sld [smem:$0x3FB0]  }
0x2c: {  	s7 =	sld [smem:$0x3FB1]  }
0x2d: {  	s3 =	simm.s32 $0x108;
	s8 =	sld [smem:$0x3FB2]  }
0x2e: {  	s3 =	simm.s32 @!p0 $0x1082;
	s9 =	sld [smem:$0x3FB3]  }
0x2f: {  	lr =	sadd.s32 s0, s3;
	s0 =	sld [smem:$0x3FAA]  }
0x30: {  	s3 =	sld [smem:$0x3FAD]  }
0x31: {  	[smem:$0x3FB6] =	sst s10  }
0x32: {  	s10 =	sld [smem:$0x3FB4];
	_ =	sdelay $0x3  }
0x33: {  	p0 =	seq.s32 s10, $0x1;
	s10 =	sld [smem:$0x3FB6];
	_ =	sdelay $0x3  }
0x34: {  	[smem:$0x3FB6] =	sst s10  }
0x35: {  	s10 =	sld [smem:$0x3FB5];
	_ =	sdelay $0x3  }
0x36: {  	p1 =	seq.s32 s10, $0x1;
	s10 =	sld [smem:$0x3FB6];
	_ =	sdelay $0x3  }
0x37: {  	[smem:$0x3FB6] =	sst s10  }
0x38: {  	s10 =	sld [smem:$0x3FB7]  }
0x39: {  	_ = 	snop;
	(pc) =	sbr.ind lr, $3  }
0x3a: {  	_ = 	snop  }
0x3b: {  	_ = 	snop  }
0x3c: {  	p2 =	seq.s32 s10, $0x1;
	s10 =	sld [smem:$0x3FB6]  }
0x3d: {  	_ =	shalt  }
0x3e: {  	_ =	shalt  }
0x3f: {  	_ =	shalt  }
0x40: {  	_ =	shalt  }
0x41: {  	_ =	shalt  }
0x42: {  	_ =	shalt  }
0x43: {  	_ =	shalt  }
0x44: {  	_ =	shalt  }
0x45: {  	_ =	shalt  }
0x46: {  	_ =	shalt  }
0x47: {  	_ =	shalt  }
0x48: {  	_ =	shalt  }
0x49: {  	_ =	shalt  }
0x4a: {  	_ =	shalt  }
0x4b: {  	_ =	shalt  }
0x4c: {  	_ =	shalt  }
0x4d: {  	_ =	shalt  }
0x4e: {  	_ =	shalt  }
0x4f: {  	_ =	shalt  }
0x50: {  	_ =	shalt  }
0x51: {  	_ =	shalt  }
0x52: {  	_ =	shalt  }
0x53: {  	_ =	shalt  }
0x54: {  	_ =	shalt  }
0x55: {  	_ =	shalt  }
0x56: {  	_ =	shalt  }
0x57: {  	_ =	shalt  }
0x58: {  	_ =	shalt  }
0x59: {  	_ =	shalt  }
0x5a: {  	_ =	shalt  }
0x5b: {  	_ =	shalt  }
0x5c: {  	_ =	shalt  }
0x5d: {  	_ =	shalt  }
0x5e: {  	_ =	shalt  }
0x5f: {  	_ =	shalt  }
0x60: {  	_ =	shalt  }
0x61: {  	_ =	shalt  }
0x62: {  	_ =	shalt  }
0x63: {  	_ =	shalt  }
0x64: {  	_ =	shalt  }
0x65: {  	_ =	shalt  }
0x66: {  	_ =	shalt  }
0x67: {  	_ =	shalt  }
0x68: {  	_ =	shalt  }
0x69: {  	_ =	shalt  }
0x6a: {  	_ =	shalt  }
0x6b: {  	_ =	shalt  }
0x6c: {  	_ =	shalt  }
0x6d: {  	_ =	shalt  }
0x6e: {  	_ =	shalt  }
0x6f: {  	_ =	shalt  }
0x70: {  	_ =	shalt  }
0x71: {  	_ =	shalt  }
0x72: {  	_ =	shalt  }
0x73: {  	_ =	shalt  }
0x74: {  	_ =	shalt  }
0x75: {  	_ =	shalt  }
0x76: {  	_ =	shalt  }
0x77: {  	_ =	shalt  }
0x78: {  	_ =	shalt  }
0x79: {  	_ =	shalt  }
0x7a: {  	_ =	shalt  }
0x7b: {  	_ =	shalt  }
0x7c: {  	_ =	shalt  }
0x7d: {  	_ =	shalt  }
0x7e: {  	_ =	shalt  }
0x7f: {  	_ =	shalt  }
0x80: {  	_ =	shalt  }
0x81: {  	_ =	shalt  }
0x82: {  	_ =	shalt  }
0x83: {  	_ =	shalt  }
0x84: {  	_ =	shalt  }
0x85: {  	_ =	shalt  }
0x86: {  	_ =	shalt  }
0x87: {  	_ =	shalt  }
.Lfunc_end0:
.L_simem_size_0:
called_computation_lowered:
.L_overlay_start_0:
0x88: {  	s2 =	sld [smem:$0x3FD9]  }
0x89: {  	s3 =	sld [smem:$0x3FFE];
	_ =	sdelay $0x1  }
0x8a: {  	s1 =	srdreg.scid  }
0x8b: {  	s0 =	sand.u32 $0x1, s1  }
0x8c: {  	s17 =	sshll.u32 s0, $0xA;
	s2 =	sadd.s32 s3, s2  }
0x8d: {  	s2 =	sadd.s32 s2, s17  }
0x8e: {  	[smem:$0x3FC2] =	sst s2  }
0x8f: {  	_ = 	snop  }
0x90: {  	s2 =	sld [smem:$0x3FD0];
	(tm) =	ssettm $0x1  }
0x91: {  	s18 =	sld [smem:$0x3FFB];
	_ =	sdelay $0x3  }
0x92: {  	_ =	strace s18  }
0x93: {  	s3 =	sld [smem:$0x3FFC];
	_ =	sdelay $0x3  }
0x94: {  	_ =	strace s3  }
0x95: {  	s3 =	sld [smem:$0x3FFD];
	_ =	sdelay $0x3  }
0x96: {  	_ =	strace s3  }
0x97: {  	_ =	strace $0x8FFFFFFF  }
0x98: {  	s19 =	sld [smem:$0x3FDB];
	_ =	sdelay $0x1  }
0x99: {  	s4 =	simm.s32 $_scs_section_size  }
0x9a: {  	s5 =	simm.s32 $_size__tile_overlayer_lowered;
	s6 =	simm.s32 $_tile_overlayer_lowered  }
0x9b: {  	s22 =	simm.s32 $0x1BFF;
	s21 =	sshll.u32 s6, $0x1;
	s3 =	sadd.s32 s4, s19  }
0x9c: {  	s7 =	simm.s32 $0x0;
	s20 =	sshll.u32 s5, $0x1;
	s5 =	sadd.s32 s21, s3  }
0x9d: {  	[timem:s7], [sflag:s22] =	dma.local [hbm:s5], s20  }
0x9e: {  	_ =	swait.ge [sflag:s22], s20  }
0x9f: {  	s4 =	ssub.s32 $0x0, s20;
	[sflag:s22] =	ssyncset.done $0x0  }
0xa0: {  	[sflag:s22] =	ssyncadd.s32 s4;
	_ =	sdelay $0x1  }
0xa1: {  	s23 =	simm.s32 $0x1B8B  }
0xa2: {  	_ =	swait.ge [sflag:s23], $0x1  }
0xa3: {  	[sflag:s23] =	ssyncset.done $0x0  }
0xa4: {  	s25 =	simm.s32 $0x1B8E;
	s24 =	sld [smem:$0x3FFE];
	[sflag:s23] =	ssyncadd.s32 $0xFFFFFFFF  }
0xa5: {  	s26 =	simm.s32 $execute0_lowered;
	[smem:$0x3FD2] =	sst s25  }
0xa6: {  	s5 =	sshll.u32 s26, $0x1;
	_ =	strace $0x80000046;
	[dreg:$0x1] =	wrdreg $0xFFFFFFFF  }
0xa7: {  	s28 =	simm.s32 $_size_execute0_lowered;
	s3 =	sadd.s32 s3, s5;
	[dreg:$0x0] =	wrdreg $0x0  }
0xa8: {  	s5 =	sshll.u32 s28, $0x1;
	[dreg:$0x2] =	wrdreg s3  }
0xa9: {  	[dreg:$0x3] =	wrdreg s5  }
0xaa: {  	[dreg:$0x4] =	wrdreg $0xC0  }
0xab: {  	_ =	task [dreg:s7], $0x5FFFF  }
0xac: {  	[dreg:$0x1] =	wrdreg $0xFFFFFFFF  }
0xad: {  	[dreg:$0x0] =	wrdreg $0x60  }
0xae: {  	[dreg:$0x2] =	wrdreg s24  }
0xaf: {  	[dreg:$0x3] =	wrdreg s2  }
0xb0: {  	[dreg:$0x4] =	wrdreg $0x28800  }
0xb1: {  	[dreg:$0x5] =	wrdreg $0x9  }
0xb2: {  	_ =	task.clear_ibuf [dreg:s7], $0x6FFFF;
	_ =	strace $0x90000046  }
0xb3: {  	s29 =	simm.s32 $0x9;
	_ =	strace $0x80000048  }
0xb4: {  	_ =	swait.ge [sflag:s29], $0x1  }
0xb5: {  	[sflag:s29] =	ssyncadd.s32 $0xFFFFFFFF  }
0xb6: {  	_ =	strace $0x90000048  }
0xb7: {  	_ =	sfence  }
0xb8: {  	s30 =	sld [smem:$0x0];
	_ =	sdelay $0x2  }
0xb9: {  	s31 =	sshll.u32 s1, $0xD;
	s1 =	sshrl.u32 s1, $0x2  }
0xba: {  	s3 =	sand.u32 $0x4000, s31;
	s1 =	sadd.s32 s1, s30  }
0xbb: {  	s0 =	sor.u32 s3, s0;
	s1 =	sshll.u32 s1, $0x11  }
0xbc: {  	s0 =	sor.u32 s1, s0  }
0xbd: {  	s0 =	sadd.s32 $0x8F2B, s0  }
0xbe: {  	[sflag:s0] =	ssyncadd.remote.s32 $0x1  }
0xbf: {  	_ =	sfence.sel $0xFFFF  }
0xc0: {  	[dreg:$0x0] =	wrdreg $0xFFFFFFFF;
	(pc) =	sbr.abs _section_cstart, $3  }
0xc1: {  	[dreg:$0x1] =	wrdreg $0xFFFFFFFF  }
0xc2: {  	_ =	task.clear_ibuf [dreg:s7], $0x2FFFF;
	_ =	strace $0x9FFFFFFF  }
0xc3: {  	(tm) =	ssettm $0x7FFFFFFF  }
tec
execute0_lowered:
.L_overlay_start_1:
0x0: {  	(tag) =	ssettag $0x1  }
0x1: {  	s6 =	rddreg [dreg:$0x0]  }
0x2: {  	s7 =	rddreg [dreg:$0x1];
	s1 =	srdreg.scid  }
0x3: {  	s0 =	stileid.u32;
	s2 =	rddreg [dreg:$0x2]  }
0x4: {  	s3 =	simm.s32 $0x0;
	s13 =	simm.s32 $0x80;
	s14 =	simm.s32 $0x0  }
0x5: {  	s8 =	sand.u32 $0x1, s1;
	s9 =	smul.u32 $0x280, s0;
	s1 =	rddreg [dreg:$0x3]  }
0x6: {  	[smem:$0x7FF] =	sst s3;
	s12 =	smul.u32 $0x2800, s0;
	s4 =	sadd.s32 $0x1A00, s6  }
0x7: {  	s5 =	sadd.s32 $0x1800, s6;
	s31 =	sshll.u32 s0, $0x6;
	s10 =	smul.u32 $0x2800, s8  }
0x8: {  	s11 =	smul.u32 $0x28000, s8;
	_ =	strace $0x80000047;
	s8 =	ssub.s32 $0x2, s8  }
0x9: {  	s29 =	sshrl.u32 s8, $0x1;
	s30 =	sadd.s32 s9, s2;
	s10 =	sadd.s32 s9, s10  }
0xa: {  	s11 =	sadd.s32 s12, s11;
	s8 =	ssub.s32 s8, s29;
	s9 =	simm.s32 $0x1  }
0xb: {  	s12 =	sshrl.u32 s30, $0x3;
	s10 =	sshrl.u32 s10, $0x3;
	s11 =	sshrl.u32 s11, $0x3  }
0xc: {  	s8 =	smax.u32 s8, $0x1;
	s10 =	sadd.s32 s10, s6;
	s6 =	sadd.s32 s7, s11  }
0xd: {  	s11 =	sor.u32 $0x1C01, s31;
	s7 =	sadd.s32 $0x1C00, s10;
	s10 =	simm.s32 $0x2800  }
.LBB2_1:
0xe: {  	[tilespmem:s3], [sflag:$0x1] =	stream.linear.gather [hbm4b:s6+s3], $0x2780, $0x38;
	[tilespmem:$0x2B00] =	vst v63  }
0xf: {  	_ =	swait.ge [sflag:s9], $0x2780  }
0x10: {  	[sflag:s9] =	ssyncset.done $0x0  }
0x11: {  	[sflag:s9] =	ssyncadd.s32 $0xFFFFD880  }
0x12: {  	[tilespmem:s10], [sflag:$0x1] =	stream.linear.gather [hbm4b:s4+s3], $0x80, $0x38;
	[tilespmem:$0x2B00] =	vst v63  }
0x13: {  	_ =	swait.ge [sflag:s9], $0x80  }
0x14: {  	[sflag:s9] =	ssyncset.done $0x0  }
0x15: {  	[sflag:s9] =	ssyncadd.s32 $0xFFFFFF80  }
0x16: {  	[spmem:s12], [sflag:s11] =	dma.local [hbm:s5], $0x50  }
0x17: {  	_ =	swait.ge [sflag:s9], $0x50  }
0x18: {  	[sflag:s9] =	ssyncset.done $0x0  }
0x19: {  	[sflag:s9] =	ssyncadd.s32 $0xFFFFFFB0  }
0x1a: {  	s15 =	simm.s32 $0x0;
	[bflag:$0x0] =	sbarrier.arrive $0xFFFF  }
0x1b: {  	[spmem:s2] =	stream.indirect.scatter.add.f32 [tilespmem:s10], [sflag:$0x1], $0x1, s15, s13, $0xb8;
	[tilespmem:$0x2B00] =	vst v63  }
0x1c: {  	_ =	swait.ge [sflag:s9], $0x80  }
0x1d: {  	s15 =	simm.s32 $0x200;
	[sflag:s9] =	ssyncset.done $0x0  }
.LBB2_2:
0x1e: {  	s16 =	sshra.s32 s15, $0x2;
	[sflag:s9] =	ssyncadd.s32 $0xFFFFFF80;
	p0 =	sne.s32 s15, $0x9C00  }
0x1f: {  	[spmem:s2] =	stream.indirect.scatter.add.f32 [tilespmem:s10], [sflag:$0x1], $0x1, s16, s13, $0xb8;
	[tilespmem:$0x2B00] =	vst v63  }
.Ltmp0:
0x20: {  	_ = 	snop;
	(pc) =	sbr.rel @p0 .LBB2_2-.Ltmp0, $4  }
0x21: {  	_ = 	snop  }
0x22: {  	s15 =	sadd.s32 $0x200, s15  }
0x23: {  	_ =	swait.ge [sflag:s9], $0x80  }
0x24: {  	[sflag:s9] =	ssyncset.done $0x0  }
0x25: {  	s14 =	sadd.s32 $0x1, s14  }
0x26: {  	[sflag:s9] =	ssyncadd.s32 $0xFFFFFF80;
	p0 =	sne.s32 s14, s8  }
.Ltmp1:
0x27: {  	[bflag:$0x0] =	sbarrier.arrive $0xFFFF;
	(pc) =	sbr.rel @p0 .LBB2_1-.Ltmp1, $4  }
0x28: {  	[hbm:s7], [sflag:s11] =	dma.local [spmem:s12], $0x50  }
0x29: {  	_ =	swait.ge [sflag:s9], $0x50  }
0x2a: {  	[sflag:s9] =	ssyncset.done $0x0  }
0x2b: {  	[sflag:s9] =	ssyncadd.s32 $0xFFFFFFB0  }
0x2c: {  	_ =	sfence.sel $0x180000  }
0x2d: {  	[bflag:$0x0] =	sbarrier.arrive $0xFFFF  }
0x2e: {  	p0 =	sne.s32 s0, $0x0;
	_ =	strace $0x90000047  }
0x2f: {  	s0 =	sadd.s32 @!p0 $0x100000, s1;
	[bflag:$0x2] =	sbarrier.arrive $0xFFFF  }
0x30: {  	[sflag:s0] =	ssyncadd.tile.s32 @!p0 $0x1;
	_ =	shalt  }
.Lfunc_end2:
_tile_overlayer_lowered:
.L_overlay_start_2:
0x31: {  	(tag) =	ssettag $0x2  }
0x32: {  	s0 =	rddreg [dreg:$0x0];
	s2 =	stileid.u32  }
0x33: {  	s1 =	rddreg [dreg:$0x1];
	p0 =	sne.s32 s2, $0x0  }
0x34: {  	s3 =	rddreg [dreg:$0x2];
	[bflag:$0x3] =	sbarrier.arrive $0xFFFF;
	s2 =	simm.s32 @!p0 $0x1C01  }
0x35: {  	[timem:s3], [sflag:s2] =	dma.local @!p0 [hbm:s0], s1  }
0x36: {  	s0 =	simm.s32 @!p0 $0x1  }
0x37: {  	_ =	swait.ge @!p0 [sflag:s0], s1  }
0x38: {  	s1 =	ssub.s32 @!p0 $0x0, s1;
	[sflag:s0] =	ssyncset.done @!p0 $0x0  }
0x39: {  	[sflag:s0] =	ssyncadd.s32 @!p0 s1  }
0x3a: {  	[bflag:$0x3] =	sbarrier.arrive $0xFFFF  }
0x3b: {  	_ =	shalt  }

</sc_bundles>
